<compile_context>
chip_gen: v7x
topology: tpu7x:2x2x1
jax: 0.10.2.dev20260603
libtpu: 0.0.44.dev20260713+nightly
codegen_flags: <defaults>
</compile_context>

<pallas_src>
import functools

import jax
import jax.numpy as jnp
from jax import lax
from jax.experimental import pallas as pl
from jax.experimental.pallas import tpu as pltpu
from jax.experimental.pallas import tpu_sc as plsc

N = 10000
E = 320000
C_IN = 128
C_HID = 128
C_OUT = 64

NC = 2
NS = 16
NW = NC * NS
K = 128
CHUNKS = -(-E // (NW * K))
EP = NW * CHUNKS * K
NPAD = 10112
RPT = NPAD // NS

MB = 1000
GRID = N // MB


def _sc_mesh():
    return plsc.VectorSubcoreMesh(core_axis_name="c", subcore_axis_name="s")


def _deg_body(dst_hbm, ones_hbm, zeros_hbm, out_hbm, dstv, onesv, deg_sh):
    c = lax.axis_index("c")
    s = lax.axis_index("s")
    wid = c * NS + s
    pltpu.sync_copy(dst_hbm.at[wid], dstv)
    pltpu.sync_copy(ones_hbm, onesv)
    pltpu.sync_copy(zeros_hbm.at[pl.ds(s * RPT, RPT)],
                    deg_sh.at[pl.ds(s * RPT, RPT)])
    plsc.subcore_barrier()

    def body(j, carry):
        pltpu.sync_copy(onesv, deg_sh.at[dstv.at[j]], add=True)
        return carry

    lax.fori_loop(0, CHUNKS, body, 0)
    plsc.subcore_barrier()
    pltpu.sync_copy(deg_sh.at[pl.ds(s * RPT, RPT)],
                    out_hbm.at[c, pl.ds(s * RPT, RPT)])


@functools.lru_cache(maxsize=None)
def _make_deg(interpret=False):
    return pl.kernel(
        _deg_body,
        out_type=jax.ShapeDtypeStruct((NC, NPAD, C_IN), jnp.float32),
        mesh=_sc_mesh(),
        scratch_types=[
            pltpu.VMEM((CHUNKS, K), jnp.int32),
            pltpu.VMEM((K, C_IN), jnp.float32),
            pltpu.VMEM_SHARED((NPAD, C_IN), jnp.float32),
        ],
        interpret=interpret,
    )


def _agg_body(y_hbm, src_hbm, dst_hbm, zeros_hbm, out_hbm,
              srcv, dstv, rows, acc_sh, sem):
        c = lax.axis_index("c")
        s = lax.axis_index("s")
        wid = c * NS + s
        pltpu.sync_copy(src_hbm.at[wid], srcv)
        pltpu.sync_copy(dst_hbm.at[wid], dstv)
        pltpu.sync_copy(zeros_hbm.at[pl.ds(s * RPT, RPT)],
                        acc_sh.at[pl.ds(s * RPT, RPT)])
        plsc.subcore_barrier()

        def body(j, carry):
            pltpu.async_copy(y_hbm.at[srcv.at[j]], rows, sem).wait()
            pltpu.sync_copy(rows, acc_sh.at[dstv.at[j]], add=True)
            return carry

        lax.fori_loop(0, CHUNKS, body, 0)
        plsc.subcore_barrier()
        pltpu.sync_copy(acc_sh.at[pl.ds(s * RPT, RPT)],
                        out_hbm.at[c, pl.ds(s * RPT, RPT)])


@functools.lru_cache(maxsize=None)
def _make_agg(width, interpret=False):
    return pl.kernel(
        _agg_body,
        out_type=jax.ShapeDtypeStruct((NC, NPAD, width), jnp.float32),
        mesh=_sc_mesh(),
        scratch_types=[
            pltpu.VMEM((CHUNKS, K), jnp.int32),
            pltpu.VMEM((CHUNKS, K), jnp.int32),
            pltpu.VMEM((K, width), jnp.float32),
            pltpu.VMEM_SHARED((NPAD, width), jnp.float32),
            pltpu.SemaphoreType.DMA,
        ],
        interpret=interpret,
    )




def _tc1_body(degp_ref, x_ref, w1_ref, y1_ref, disb_ref):
    deg = degp_ref[0, :, 0:1] + degp_ref[1, :, 0:1]
    dis = lax.rsqrt(deg + 1.0)
    xw = jnp.dot(x_ref[...], w1_ref[...], preferred_element_type=jnp.float32)
    y1_ref[...] = xw * dis
    disb_ref[...] = jnp.broadcast_to(dis, (MB, C_IN))


def _tc2_body(p_ref, y1_ref, disb_ref, b1_ref, w2_ref, h_ref, y2_ref):
    acc = p_ref[0] + p_ref[1] + y1_ref[...]
    h = jnp.maximum(disb_ref[...] * acc + b1_ref[...], 0.0)
    h_ref[...] = h
    xw2 = jnp.dot(h, w2_ref[...], preferred_element_type=jnp.float32)
    y2_ref[...] = jnp.concatenate(
        [xw2 * disb_ref[:, :C_OUT], jnp.zeros((MB, C_HID - C_OUT), jnp.float32)],
        axis=-1)


def _tc3_body(p_ref, y2_ref, disb_ref, b2_ref, x_ref, h_ref,
              wl1_ref, wl2_ref, wl3_ref, bl_ref, out_ref):
    dis64 = disb_ref[:, :C_OUT]
    o = dis64 * (p_ref[0] + p_ref[1] + y2_ref[:, :C_OUT]) + b2_ref[...]
    logits = (jnp.dot(x_ref[...], wl1_ref[...],
                      preferred_element_type=jnp.float32)
              + jnp.dot(h_ref[...], wl2_ref[...],
                        preferred_element_type=jnp.float32)
              + jnp.dot(o, wl3_ref[...], preferred_element_type=jnp.float32)
              + bl_ref[...])
    m = jnp.max(logits, axis=-1, keepdims=True)
    ls = logits - m
    out_ref[...] = ls - jnp.log(jnp.sum(jnp.exp(ls), axis=-1, keepdims=True))


_tc1 = pl.pallas_call(
    _tc1_body,
    grid=(GRID,),
    in_specs=[
        pl.BlockSpec((NC, MB, C_IN), lambda i: (0, i, 0)),
        pl.BlockSpec((MB, C_IN), lambda i: (i, 0)),
        pl.BlockSpec((C_IN, C_HID), lambda i: (0, 0)),
    ],
    out_specs=[
        pl.BlockSpec((MB, C_HID), lambda i: (i, 0)),
        pl.BlockSpec((MB, C_IN), lambda i: (i, 0)),
    ],
    out_shape=[
        jax.ShapeDtypeStruct((N, C_HID), jnp.float32),
        jax.ShapeDtypeStruct((N, C_IN), jnp.float32),
    ],
)

_tc2 = pl.pallas_call(
    _tc2_body,
    grid=(GRID,),
    in_specs=[
        pl.BlockSpec((NC, MB, C_HID), lambda i: (0, i, 0)),
        pl.BlockSpec((MB, C_HID), lambda i: (i, 0)),
        pl.BlockSpec((MB, C_IN), lambda i: (i, 0)),
        pl.BlockSpec((1, C_HID), lambda i: (0, 0)),
        pl.BlockSpec((C_HID, C_OUT), lambda i: (0, 0)),
    ],
    out_specs=[
        pl.BlockSpec((MB, C_HID), lambda i: (i, 0)),
        pl.BlockSpec((MB, C_HID), lambda i: (i, 0)),
    ],
    out_shape=[
        jax.ShapeDtypeStruct((N, C_HID), jnp.float32),
        jax.ShapeDtypeStruct((N, C_HID), jnp.float32),
    ],
)

_tc3 = pl.pallas_call(
    _tc3_body,
    grid=(GRID,),
    in_specs=[
        pl.BlockSpec((NC, MB, C_OUT), lambda i: (0, i, 0)),
        pl.BlockSpec((MB, C_HID), lambda i: (i, 0)),
        pl.BlockSpec((MB, C_IN), lambda i: (i, 0)),
        pl.BlockSpec((1, C_OUT), lambda i: (0, 0)),
        pl.BlockSpec((MB, C_IN), lambda i: (i, 0)),
        pl.BlockSpec((MB, C_HID), lambda i: (i, 0)),
        pl.BlockSpec((C_IN, C_OUT), lambda i: (0, 0)),
        pl.BlockSpec((C_HID, C_OUT), lambda i: (0, 0)),
        pl.BlockSpec((C_OUT, C_OUT), lambda i: (0, 0)),
        pl.BlockSpec((1, C_OUT), lambda i: (0, 0)),
    ],
    out_specs=pl.BlockSpec((MB, C_OUT), lambda i: (i, 0)),
    out_shape=jax.ShapeDtypeStruct((N, C_OUT), jnp.float32),
)


def kernel(x, edge_index, W1, b1, W2, b2, Wl, bl):
    ei = edge_index.astype(jnp.int32)
    src, dst = ei[0], ei[1]
    srcp = jnp.concatenate(
        [src, jnp.zeros((EP - E,), jnp.int32)]).reshape(NW, CHUNKS, K)
    pad_dst = N + (jnp.arange(EP - E, dtype=jnp.int32) % (NPAD - N))
    dstp = jnp.concatenate([dst, pad_dst]).reshape(NW, CHUNKS, K)

    ones128 = jnp.ones((K, C_IN), jnp.float32)
    z128 = jnp.zeros((NPAD, C_HID), jnp.float32)

    degp = _make_deg()(dstp, ones128, z128)[:, :N, :]
    y1, disb = _tc1(degp, x, W1)
    agg = _make_agg(C_HID)
    p1 = agg(y1, srcp, dstp, z128)[:, :N, :]
    h, y2 = _tc2(p1, y1, disb, b1.reshape(1, -1), W2)
    p2 = agg(y2, srcp, dstp, z128)[:, :N, :C_OUT]
    out = _tc3(p2, y2, disb, b2.reshape(1, -1), x, h,
               Wl[:C_IN], Wl[C_IN:C_IN + C_HID], Wl[C_IN + C_HID:],
               bl.reshape(1, -1))
    return out

# --- scband reference (transcript-rebuilt; emitter-appended) ---
"""Pipeline reference for scband-h2-gcn-ego-54666343743489 (READ-ONLY COPY).

The authoritative reference and input builder live on the scoring server;
editing this copy changes nothing except your own understanding.
"""

import jax, jax.numpy as jnp
import numpy as np

N_NODES = 10000
IN_CH = 128
HID_CH = 128
OUT_CH = 64
N_EDGES = 320000


def gcn_conv(x, edge_index, W, b, n_nodes):
    # PyG GCNConv with add_self_loops=True, symmetric normalization
    x = x @ W
    src = edge_index[0]
    dst = edge_index[1]
    loop = jnp.arange(n_nodes, dtype=src.dtype)
    src = jnp.concatenate([src, loop])
    dst = jnp.concatenate([dst, loop])
    deg = jnp.zeros((n_nodes,), dtype=x.dtype).at[dst].add(1.0)
    deg_inv_sqrt = jnp.where(deg > 0, jax.lax.rsqrt(jnp.maximum(deg, 1e-12)), 0.0)
    norm = deg_inv_sqrt[src] * deg_inv_sqrt[dst]
    msg = x[src] * norm[:, None]
    out = jnp.zeros_like(x).at[dst].add(msg)
    return out + b


def setup_inputs(seed: int = 0) -> dict:
    key = jax.random.key(seed)
    k = jax.random.split(key, 8)
    x = jax.random.normal(k[0], (N_NODES, IN_CH), dtype=jnp.float32)
    edge_index = jax.random.randint(k[1], (2, N_EDGES), 0, N_NODES, dtype=jnp.int64 if jax.config.read('jax_enable_x64') else jnp.int32)
    s1 = 1.0 / np.sqrt(IN_CH)
    s2 = 1.0 / np.sqrt(HID_CH)
    s3 = 1.0 / np.sqrt(IN_CH + HID_CH + OUT_CH)
    W1 = jax.random.uniform(k[2], (IN_CH, HID_CH), jnp.float32, -s1, s1)
    b1 = jnp.zeros((HID_CH,), jnp.float32)
    W2 = jax.random.uniform(k[3], (HID_CH, OUT_CH), jnp.float32, -s2, s2)
    b2 = jnp.zeros((OUT_CH,), jnp.float32)
    Wl = jax.random.uniform(k[4], (IN_CH + HID_CH + OUT_CH, OUT_CH), jnp.float32, -s3, s3)
    bl = jax.random.uniform(k[5], (OUT_CH,), jnp.float32, -s3, s3)
    return {"x": x, "edge_index": edge_index, "W1": W1, "b1": b1, "W2": W2, "b2": b2, "Wl": Wl, "bl": bl}


def reference(x, edge_index, W1, b1, W2, b2, Wl, bl):
    # eval mode: dropout is identity
    i0 = x
    h = gcn_conv(x, edge_index, W1, b1, N_NODES)
    h = jax.nn.relu(h)
    o = gcn_conv(h, edge_index, W2, b2, N_NODES)
    cat = jnp.concatenate([i0, h, o], axis=1)
    out = cat @ Wl + bl
    return jax.nn.log_softmax(out, axis=-1)

if __name__ == "__main__":
    import jax
    _d = setup_inputs()
    print(jax.jit(kernel)(*tuple(_d.values())))

</pallas_src>

<mosaic_0001>
#map = affine_map<(d0, d1) -> (0, 0, 0)>
#map1 = affine_map<(d0, d1) -> (0, 0)>
module attributes {stable_mosaic.version = 14 : i64} {
  func.func @_deg_body(%arg0: i32, %arg1: i32, %arg2: memref<32x79x128xi32, #tpu.memory_space<hbm>>, %arg3: memref<128x128xf32, #tpu.memory_space<hbm>>, %arg4: memref<10112x128xf32, #tpu.memory_space<hbm>>, %arg5: memref<2x10112x128xf32, #tpu.memory_space<hbm>>, %arg6: memref<79x128xi32, #tpu.memory_space<vmem>>, %arg7: memref<128x128xf32, #tpu.memory_space<vmem>>, %arg8: memref<10112x128xf32, #tpu.memory_space<vmem_shared>>) attributes {dimension_semantics = [#tpu.dimension_semantics<core_parallel>, #tpu.dimension_semantics<subcore_parallel>], iteration_bounds = array<i64: 2, 16>, scalar_prefetch = 0 : i64, scratch_operands = 3 : i64, tpu.core_type = #tpu.core_type<sc_vector_subcore>, window_params = [{transform_indices = #map}, {transform_indices = #map1}, {transform_indices = #map1}, {transform_indices = #map}]} {
    %mul3A = arith.constant 16 : i32
    %mul3A_0 = arith.muli %arg0, %mul3A : i32
    %add3A = arith.addi %mul3A_0, %arg1 : i32
    "tpu.region"() ({
      %run_scoped3A = tpu.sem_alloc : memref<!tpu.dma_semaphore, #tpu.memory_space<semaphore_mem>>
      %dma_start3A = arith.constant 0 : i32
      %dma_start3A_15 = arith.constant 0 : i32
      %dma_start3A_16 = tpu.memref_slice %arg2[%add3A, %dma_start3A, %dma_start3A_15] : memref<32x79x128xi32, #tpu.memory_space<hbm>> -> memref<1x79x128xi32, #tpu.memory_space<hbm>>
      %dma_start3A_17 = tpu.memref_squeeze %dma_start3A_16 : memref<1x79x128xi32, #tpu.memory_space<hbm>> -> memref<79x128xi32, #tpu.memory_space<hbm>>
      %dma_start3A_18 = arith.constant 0 : i32
      %dma_start3A_19 = arith.constant 0 : i32
      %dma_start3A_20 = tpu.memref_slice %arg2[%add3A, %dma_start3A_18, %dma_start3A_19] : memref<32x79x128xi32, #tpu.memory_space<hbm>> -> memref<1x79x128xi32, #tpu.memory_space<hbm>>
      %dma_start3A_21 = tpu.memref_squeeze %dma_start3A_20 : memref<1x79x128xi32, #tpu.memory_space<hbm>> -> memref<79x128xi32, #tpu.memory_space<hbm>>
      tpu.enqueue_dma source(%dma_start3A_21 : memref<79x128xi32, #tpu.memory_space<hbm>>) target(%arg6 : memref<79x128xi32, #tpu.memory_space<vmem>>) target_semaphore(%run_scoped3A : memref<!tpu.dma_semaphore, #tpu.memory_space<semaphore_mem>>)
      %dma_wait3A = arith.constant 0 : i32
      %dma_wait3A_22 = arith.constant 0 : i32
      %dma_wait3A_23 = tpu.memref_slice %arg2[%add3A, %dma_wait3A, %dma_wait3A_22] : memref<32x79x128xi32, #tpu.memory_space<hbm>> -> memref<1x79x128xi32, #tpu.memory_space<hbm>>
      %dma_wait3A_24 = tpu.memref_squeeze %dma_wait3A_23 : memref<1x79x128xi32, #tpu.memory_space<hbm>> -> memref<79x128xi32, #tpu.memory_space<hbm>>
      %dma_wait3A_25 = arith.constant 0 : i32
      %dma_wait3A_26 = arith.constant 0 : i32
      %dma_wait3A_27 = tpu.memref_slice %arg2[%add3A, %dma_wait3A_25, %dma_wait3A_26] : memref<32x79x128xi32, #tpu.memory_space<hbm>> -> memref<1x79x128xi32, #tpu.memory_space<hbm>>
      %dma_wait3A_28 = tpu.memref_squeeze %dma_wait3A_27 : memref<1x79x128xi32, #tpu.memory_space<hbm>> -> memref<79x128xi32, #tpu.memory_space<hbm>>
      tpu.wait_dma2 semaphore(%run_scoped3A : memref<!tpu.dma_semaphore, #tpu.memory_space<semaphore_mem>>) src(%dma_wait3A_28 : memref<79x128xi32, #tpu.memory_space<hbm>>) dst(%arg6 : memref<79x128xi32, #tpu.memory_space<vmem>>)
      tpu.yield
    }) : () -> ()
    "tpu.region"() ({
      %run_scoped3A = tpu.sem_alloc : memref<!tpu.dma_semaphore, #tpu.memory_space<semaphore_mem>>
      tpu.enqueue_dma source(%arg3 : memref<128x128xf32, #tpu.memory_space<hbm>>) target(%arg7 : memref<128x128xf32, #tpu.memory_space<vmem>>) target_semaphore(%run_scoped3A : memref<!tpu.dma_semaphore, #tpu.memory_space<semaphore_mem>>)
      tpu.wait_dma2 semaphore(%run_scoped3A : memref<!tpu.dma_semaphore, #tpu.memory_space<semaphore_mem>>) src(%arg3 : memref<128x128xf32, #tpu.memory_space<hbm>>) dst(%arg7 : memref<128x128xf32, #tpu.memory_space<vmem>>)
      tpu.yield
    }) : () -> ()
    %mul3A_1 = arith.constant 632 : i32
    %mul3A_2 = arith.muli %arg1, %mul3A_1 : i32
    %mul3A_3 = arith.constant 632 : i32
    %mul3A_4 = arith.muli %arg1, %mul3A_3 : i32
    "tpu.region"() ({
      %run_scoped3A = tpu.sem_alloc : memref<!tpu.dma_semaphore, #tpu.memory_space<semaphore_mem>>
      %dma_start3A = arith.constant 0 : i32
      %dma_start3A_15 = tpu.memref_slice %arg8[%mul3A_4, %dma_start3A] : memref<10112x128xf32, #tpu.memory_space<vmem_shared>> -> memref<632x128xf32, #tpu.memory_space<vmem_shared>>
      %dma_start3A_16 = arith.constant 0 : i32
      %dma_start3A_17 = tpu.memref_slice %arg4[%mul3A_2, %dma_start3A_16] : memref<10112x128xf32, #tpu.memory_space<hbm>> -> memref<632x128xf32, #tpu.memory_space<hbm>>
      tpu.enqueue_dma source(%dma_start3A_17 : memref<632x128xf32, #tpu.memory_space<hbm>>) target(%dma_start3A_15 : memref<632x128xf32, #tpu.memory_space<vmem_shared>>) target_semaphore(%run_scoped3A : memref<!tpu.dma_semaphore, #tpu.memory_space<semaphore_mem>>)
      %dma_wait3A = arith.constant 0 : i32
      %dma_wait3A_18 = tpu.memref_slice %arg8[%mul3A_4, %dma_wait3A] : memref<10112x128xf32, #tpu.memory_space<vmem_shared>> -> memref<632x128xf32, #tpu.memory_space<vmem_shared>>
      %dma_wait3A_19 = arith.constant 0 : i32
      %dma_wait3A_20 = tpu.memref_slice %arg4[%mul3A_2, %dma_wait3A_19] : memref<10112x128xf32, #tpu.memory_space<hbm>> -> memref<632x128xf32, #tpu.memory_space<hbm>>
      tpu.wait_dma2 semaphore(%run_scoped3A : memref<!tpu.dma_semaphore, #tpu.memory_space<semaphore_mem>>) src(%dma_wait3A_20 : memref<632x128xf32, #tpu.memory_space<hbm>>) dst(%dma_wait3A_18 : memref<632x128xf32, #tpu.memory_space<vmem_shared>>)
      tpu.yield
    }) : () -> ()
    %barrier3A = arith.constant 0 : index
    tpu.barrier barrier_id(%barrier3A)
    %scan3A = arith.constant 0 : i32
    %scan3A_5 = arith.constant 0 : i32
    %scan3A_6 = arith.constant 79 : i32
    %scan3A_7 = arith.addi %scan3A_5, %scan3A_6 : i32
    %scan3A_8 = arith.constant 1 : i32
    scf.for %scan3A_15 = %scan3A_5 to %scan3A_7 step %scan3A_8  : i32 {
      "tpu.region"() ({
        %run_scoped3A = tpu.sem_alloc : memref<!tpu.dma_semaphore, #tpu.memory_space<semaphore_mem>>
        %dma_start3A = arith.constant 0 : i32
        %dma_start3A_16 = tpu.memref_slice %arg6[%scan3A_15, %dma_start3A] : memref<79x128xi32, #tpu.memory_space<vmem>> -> memref<1x128xi32, #tpu.memory_space<vmem>>
        %dma_start3A_17 = tpu.memref_squeeze %dma_start3A_16 : memref<1x128xi32, #tpu.memory_space<vmem>> -> memref<128xi32, #tpu.memory_space<vmem>>
        %dma_start3A_18 = arith.constant 0 : i32
        %dma_start3A_19 = arith.constant 0 : i32
        %dma_start3A_20 = tpu.memref_slice %arg8[%dma_start3A_18, %dma_start3A_19] : memref<10112x128xf32, #tpu.memory_space<vmem_shared>> -> memref<10112x128xf32, #tpu.memory_space<vmem_shared>>
        tpu.enqueue_indirect_dma source(%arg7 : memref<128x128xf32, #tpu.memory_space<vmem>>) target(%dma_start3A_20 : memref<10112x128xf32, #tpu.memory_space<vmem_shared>>) offsets(%dma_start3A_17 : memref<128xi32, #tpu.memory_space<vmem>>) semaphore(%run_scoped3A : memref<!tpu.dma_semaphore, #tpu.memory_space<semaphore_mem>>) {add = true}
        %dma_wait3A = arith.constant 0 : i32
        %dma_wait3A_21 = tpu.memref_slice %arg6[%scan3A_15, %dma_wait3A] : memref<79x128xi32, #tpu.memory_space<vmem>> -> memref<1x128xi32, #tpu.memory_space<vmem>>
        %dma_wait3A_22 = tpu.memref_squeeze %dma_wait3A_21 : memref<1x128xi32, #tpu.memory_space<vmem>> -> memref<128xi32, #tpu.memory_space<vmem>>
        %dma_wait3A_23 = arith.constant 0 : i32
        %dma_wait3A_24 = arith.constant 0 : i32
        %dma_wait3A_25 = tpu.memref_slice %arg8[%dma_wait3A_23, %dma_wait3A_24] : memref<10112x128xf32, #tpu.memory_space<vmem_shared>> -> memref<10112x128xf32, #tpu.memory_space<vmem_shared>>
        tpu.wait_indirect_dma semaphore(%run_scoped3A : memref<!tpu.dma_semaphore, #tpu.memory_space<semaphore_mem>>) src(%arg7 : memref<128x128xf32, #tpu.memory_space<vmem>>) dst(%dma_wait3A_25 : memref<10112x128xf32, #tpu.memory_space<vmem_shared>>)
        tpu.yield
      }) : () -> ()
    }
    %scan3A_9 = arith.constant 79 : i32
    %barrier3A_10 = arith.constant 0 : index
    tpu.barrier barrier_id(%barrier3A_10)
    %mul3A_11 = arith.constant 632 : i32
    %mul3A_12 = arith.muli %arg1, %mul3A_11 : i32
    %mul3A_13 = arith.constant 632 : i32
    %mul3A_14 = arith.muli %arg1, %mul3A_13 : i32
    "tpu.region"() ({
      %run_scoped3A = tpu.sem_alloc : memref<!tpu.dma_semaphore, #tpu.memory_space<semaphore_mem>>
      %dma_start3A = arith.constant 0 : i32
      %dma_start3A_15 = tpu.memref_slice %arg5[%arg0, %mul3A_14, %dma_start3A] : memref<2x10112x128xf32, #tpu.memory_space<hbm>> -> memref<1x632x128xf32, #tpu.memory_space<hbm>>
      %dma_start3A_16 = tpu.memref_squeeze %dma_start3A_15 : memref<1x632x128xf32, #tpu.memory_space<hbm>> -> memref<632x128xf32, #tpu.memory_space<hbm>>
      %dma_start3A_17 = arith.constant 0 : i32
      %dma_start3A_18 = tpu.memref_slice %arg8[%mul3A_12, %dma_start3A_17] : memref<10112x128xf32, #tpu.memory_space<vmem_shared>> -> memref<632x128xf32, #tpu.memory_space<vmem_shared>>
      tpu.enqueue_dma source(%dma_start3A_18 : memref<632x128xf32, #tpu.memory_space<vmem_shared>>) target(%dma_start3A_16 : memref<632x128xf32, #tpu.memory_space<hbm>>) target_semaphore(%run_scoped3A : memref<!tpu.dma_semaphore, #tpu.memory_space<semaphore_mem>>)
      %dma_wait3A = arith.constant 0 : i32
      %dma_wait3A_19 = tpu.memref_slice %arg5[%arg0, %mul3A_14, %dma_wait3A] : memref<2x10112x128xf32, #tpu.memory_space<hbm>> -> memref<1x632x128xf32, #tpu.memory_space<hbm>>
      %dma_wait3A_20 = tpu.memref_squeeze %dma_wait3A_19 : memref<1x632x128xf32, #tpu.memory_space<hbm>> -> memref<632x128xf32, #tpu.memory_space<hbm>>
      %dma_wait3A_21 = arith.constant 0 : i32
      %dma_wait3A_22 = tpu.memref_slice %arg8[%mul3A_12, %dma_wait3A_21] : memref<10112x128xf32, #tpu.memory_space<vmem_shared>> -> memref<632x128xf32, #tpu.memory_space<vmem_shared>>
      tpu.wait_dma2 semaphore(%run_scoped3A : memref<!tpu.dma_semaphore, #tpu.memory_space<semaphore_mem>>) src(%dma_wait3A_22 : memref<632x128xf32, #tpu.memory_space<vmem_shared>>) dst(%dma_wait3A_20 : memref<632x128xf32, #tpu.memory_space<hbm>>)
      tpu.yield
    }) : () -> ()
    return
  }
}

#map = affine_map<(d0, d1) -> (0, 0)>
#map1 = affine_map<(d0, d1) -> (0, 0, 0)>
module attributes {stable_mosaic.version = 14 : i64} {
  func.func @_agg_body(%arg0: i32, %arg1: i32, %arg2: memref<10000x128xf32, #tpu.memory_space<hbm>>, %arg3: memref<32x79x128xi32, #tpu.memory_space<hbm>>, %arg4: memref<32x79x128xi32, #tpu.memory_space<hbm>>, %arg5: memref<10112x128xf32, #tpu.memory_space<hbm>>, %arg6: memref<2x10112x128xf32, #tpu.memory_space<hbm>>, %arg7: memref<79x128xi32, #tpu.memory_space<vmem>>, %arg8: memref<79x128xi32, #tpu.memory_space<vmem>>, %arg9: memref<128x128xf32, #tpu.memory_space<vmem>>, %arg10: memref<10112x128xf32, #tpu.memory_space<vmem_shared>>, %arg11: memref<!tpu.dma_semaphore, #tpu.memory_space<semaphore_mem>>) attributes {dimension_semantics = [#tpu.dimension_semantics<core_parallel>, #tpu.dimension_semantics<subcore_parallel>], iteration_bounds = array<i64: 2, 16>, scalar_prefetch = 0 : i64, scratch_operands = 5 : i64, tpu.core_type = #tpu.core_type<sc_vector_subcore>, window_params = [{transform_indices = #map}, {transform_indices = #map1}, {transform_indices = #map1}, {transform_indices = #map}, {transform_indices = #map1}]} {
    %mul3A = arith.constant 16 : i32
    %mul3A_0 = arith.muli %arg0, %mul3A : i32
    %add3A = arith.addi %mul3A_0, %arg1 : i32
    "tpu.region"() ({
      %run_scoped3A = tpu.sem_alloc : memref<!tpu.dma_semaphore, #tpu.memory_space<semaphore_mem>>
      %dma_start3A = arith.constant 0 : i32
      %dma_start3A_15 = arith.constant 0 : i32
      %dma_start3A_16 = tpu.memref_slice %arg3[%add3A, %dma_start3A, %dma_start3A_15] : memref<32x79x128xi32, #tpu.memory_space<hbm>> -> memref<1x79x128xi32, #tpu.memory_space<hbm>>
      %dma_start3A_17 = tpu.memref_squeeze %dma_start3A_16 : memref<1x79x128xi32, #tpu.memory_space<hbm>> -> memref<79x128xi32, #tpu.memory_space<hbm>>
      %dma_start3A_18 = arith.constant 0 : i32
      %dma_start3A_19 = arith.constant 0 : i32
      %dma_start3A_20 = tpu.memref_slice %arg3[%add3A, %dma_start3A_18, %dma_start3A_19] : memref<32x79x128xi32, #tpu.memory_space<hbm>> -> memref<1x79x128xi32, #tpu.memory_space<hbm>>
      %dma_start3A_21 = tpu.memref_squeeze %dma_start3A_20 : memref<1x79x128xi32, #tpu.memory_space<hbm>> -> memref<79x128xi32, #tpu.memory_space<hbm>>
      tpu.enqueue_dma source(%dma_start3A_21 : memref<79x128xi32, #tpu.memory_space<hbm>>) target(%arg7 : memref<79x128xi32, #tpu.memory_space<vmem>>) target_semaphore(%run_scoped3A : memref<!tpu.dma_semaphore, #tpu.memory_space<semaphore_mem>>)
      %dma_wait3A = arith.constant 0 : i32
      %dma_wait3A_22 = arith.constant 0 : i32
      %dma_wait3A_23 = tpu.memref_slice %arg3[%add3A, %dma_wait3A, %dma_wait3A_22] : memref<32x79x128xi32, #tpu.memory_space<hbm>> -> memref<1x79x128xi32, #tpu.memory_space<hbm>>
      %dma_wait3A_24 = tpu.memref_squeeze %dma_wait3A_23 : memref<1x79x128xi32, #tpu.memory_space<hbm>> -> memref<79x128xi32, #tpu.memory_space<hbm>>
      %dma_wait3A_25 = arith.constant 0 : i32
      %dma_wait3A_26 = arith.constant 0 : i32
      %dma_wait3A_27 = tpu.memref_slice %arg3[%add3A, %dma_wait3A_25, %dma_wait3A_26] : memref<32x79x128xi32, #tpu.memory_space<hbm>> -> memref<1x79x128xi32, #tpu.memory_space<hbm>>
      %dma_wait3A_28 = tpu.memref_squeeze %dma_wait3A_27 : memref<1x79x128xi32, #tpu.memory_space<hbm>> -> memref<79x128xi32, #tpu.memory_space<hbm>>
      tpu.wait_dma2 semaphore(%run_scoped3A : memref<!tpu.dma_semaphore, #tpu.memory_space<semaphore_mem>>) src(%dma_wait3A_28 : memref<79x128xi32, #tpu.memory_space<hbm>>) dst(%arg7 : memref<79x128xi32, #tpu.memory_space<vmem>>)
      tpu.yield
    }) : () -> ()
    "tpu.region"() ({
      %run_scoped3A = tpu.sem_alloc : memref<!tpu.dma_semaphore, #tpu.memory_space<semaphore_mem>>
      %dma_start3A = arith.constant 0 : i32
      %dma_start3A_15 = arith.constant 0 : i32
      %dma_start3A_16 = tpu.memref_slice %arg4[%add3A, %dma_start3A, %dma_start3A_15] : memref<32x79x128xi32, #tpu.memory_space<hbm>> -> memref<1x79x128xi32, #tpu.memory_space<hbm>>
      %dma_start3A_17 = tpu.memref_squeeze %dma_start3A_16 : memref<1x79x128xi32, #tpu.memory_space<hbm>> -> memref<79x128xi32, #tpu.memory_space<hbm>>
      %dma_start3A_18 = arith.constant 0 : i32
      %dma_start3A_19 = arith.constant 0 : i32
      %dma_start3A_20 = tpu.memref_slice %arg4[%add3A, %dma_start3A_18, %dma_start3A_19] : memref<32x79x128xi32, #tpu.memory_space<hbm>> -> memref<1x79x128xi32, #tpu.memory_space<hbm>>
      %dma_start3A_21 = tpu.memref_squeeze %dma_start3A_20 : memref<1x79x128xi32, #tpu.memory_space<hbm>> -> memref<79x128xi32, #tpu.memory_space<hbm>>
      tpu.enqueue_dma source(%dma_start3A_21 : memref<79x128xi32, #tpu.memory_space<hbm>>) target(%arg8 : memref<79x128xi32, #tpu.memory_space<vmem>>) target_semaphore(%run_scoped3A : memref<!tpu.dma_semaphore, #tpu.memory_space<semaphore_mem>>)
      %dma_wait3A = arith.constant 0 : i32
      %dma_wait3A_22 = arith.constant 0 : i32
      %dma_wait3A_23 = tpu.memref_slice %arg4[%add3A, %dma_wait3A, %dma_wait3A_22] : memref<32x79x128xi32, #tpu.memory_space<hbm>> -> memref<1x79x128xi32, #tpu.memory_space<hbm>>
      %dma_wait3A_24 = tpu.memref_squeeze %dma_wait3A_23 : memref<1x79x128xi32, #tpu.memory_space<hbm>> -> memref<79x128xi32, #tpu.memory_space<hbm>>
      %dma_wait3A_25 = arith.constant 0 : i32
      %dma_wait3A_26 = arith.constant 0 : i32
      %dma_wait3A_27 = tpu.memref_slice %arg4[%add3A, %dma_wait3A_25, %dma_wait3A_26] : memref<32x79x128xi32, #tpu.memory_space<hbm>> -> memref<1x79x128xi32, #tpu.memory_space<hbm>>
      %dma_wait3A_28 = tpu.memref_squeeze %dma_wait3A_27 : memref<1x79x128xi32, #tpu.memory_space<hbm>> -> memref<79x128xi32, #tpu.memory_space<hbm>>
      tpu.wait_dma2 semaphore(%run_scoped3A : memref<!tpu.dma_semaphore, #tpu.memory_space<semaphore_mem>>) src(%dma_wait3A_28 : memref<79x128xi32, #tpu.memory_space<hbm>>) dst(%arg8 : memref<79x128xi32, #tpu.memory_space<vmem>>)
      tpu.yield
    }) : () -> ()
    %mul3A_1 = arith.constant 632 : i32
    %mul3A_2 = arith.muli %arg1, %mul3A_1 : i32
    %mul3A_3 = arith.constant 632 : i32
    %mul3A_4 = arith.muli %arg1, %mul3A_3 : i32
    "tpu.region"() ({
      %run_scoped3A = tpu.sem_alloc : memref<!tpu.dma_semaphore, #tpu.memory_space<semaphore_mem>>
      %dma_start3A = arith.constant 0 : i32
      %dma_start3A_15 = tpu.memref_slice %arg10[%mul3A_4, %dma_start3A] : memref<10112x128xf32, #tpu.memory_space<vmem_shared>> -> memref<632x128xf32, #tpu.memory_space<vmem_shared>>
      %dma_start3A_16 = arith.constant 0 : i32
      %dma_start3A_17 = tpu.memref_slice %arg5[%mul3A_2, %dma_start3A_16] : memref<10112x128xf32, #tpu.memory_space<hbm>> -> memref<632x128xf32, #tpu.memory_space<hbm>>
      tpu.enqueue_dma source(%dma_start3A_17 : memref<632x128xf32, #tpu.memory_space<hbm>>) target(%dma_start3A_15 : memref<632x128xf32, #tpu.memory_space<vmem_shared>>) target_semaphore(%run_scoped3A : memref<!tpu.dma_semaphore, #tpu.memory_space<semaphore_mem>>)
      %dma_wait3A = arith.constant 0 : i32
      %dma_wait3A_18 = tpu.memref_slice %arg10[%mul3A_4, %dma_wait3A] : memref<10112x128xf32, #tpu.memory_space<vmem_shared>> -> memref<632x128xf32, #tpu.memory_space<vmem_shared>>
      %dma_wait3A_19 = arith.constant 0 : i32
      %dma_wait3A_20 = tpu.memref_slice %arg5[%mul3A_2, %dma_wait3A_19] : memref<10112x128xf32, #tpu.memory_space<hbm>> -> memref<632x128xf32, #tpu.memory_space<hbm>>
      tpu.wait_dma2 semaphore(%run_scoped3A : memref<!tpu.dma_semaphore, #tpu.memory_space<semaphore_mem>>) src(%dma_wait3A_20 : memref<632x128xf32, #tpu.memory_space<hbm>>) dst(%dma_wait3A_18 : memref<632x128xf32, #tpu.memory_space<vmem_shared>>)
      tpu.yield
    }) : () -> ()
    %barrier3A = arith.constant 0 : index
    tpu.barrier barrier_id(%barrier3A)
    %scan3A = arith.constant 0 : i32
    %scan3A_5 = arith.constant 0 : i32
    %scan3A_6 = arith.constant 79 : i32
    %scan3A_7 = arith.addi %scan3A_5, %scan3A_6 : i32
    %scan3A_8 = arith.constant 1 : i32
    scf.for %scan3A_15 = %scan3A_5 to %scan3A_7 step %scan3A_8  : i32 {
      %dma_start3A = arith.constant 0 : i32
      %dma_start3A_16 = tpu.memref_slice %arg7[%scan3A_15, %dma_start3A] : memref<79x128xi32, #tpu.memory_space<vmem>> -> memref<1x128xi32, #tpu.memory_space<vmem>>
      %dma_start3A_17 = tpu.memref_squeeze %dma_start3A_16 : memref<1x128xi32, #tpu.memory_space<vmem>> -> memref<128xi32, #tpu.memory_space<vmem>>
      %dma_start3A_18 = arith.constant 0 : i32
      %dma_start3A_19 = arith.constant 0 : i32
      %dma_start3A_20 = tpu.memref_slice %arg2[%dma_start3A_18, %dma_start3A_19] : memref<10000x128xf32, #tpu.memory_space<hbm>> -> memref<10000x128xf32, #tpu.memory_space<hbm>>
      tpu.enqueue_indirect_dma source(%dma_start3A_20 : memref<10000x128xf32, #tpu.memory_space<hbm>>) target(%arg9 : memref<128x128xf32, #tpu.memory_space<vmem>>) offsets(%dma_start3A_17 : memref<128xi32, #tpu.memory_space<vmem>>) semaphore(%arg11 : memref<!tpu.dma_semaphore, #tpu.memory_space<semaphore_mem>>)
      %dma_wait3A = arith.constant 0 : i32
      %dma_wait3A_21 = tpu.memref_slice %arg7[%scan3A_15, %dma_wait3A] : memref<79x128xi32, #tpu.memory_space<vmem>> -> memref<1x128xi32, #tpu.memory_space<vmem>>
      %dma_wait3A_22 = tpu.memref_squeeze %dma_wait3A_21 : memref<1x128xi32, #tpu.memory_space<vmem>> -> memref<128xi32, #tpu.memory_space<vmem>>
      %dma_wait3A_23 = arith.constant 0 : i32
      %dma_wait3A_24 = arith.constant 0 : i32
      %dma_wait3A_25 = tpu.memref_slice %arg2[%dma_wait3A_23, %dma_wait3A_24] : memref<10000x128xf32, #tpu.memory_space<hbm>> -> memref<10000x128xf32, #tpu.memory_space<hbm>>
      tpu.wait_indirect_dma semaphore(%arg11 : memref<!tpu.dma_semaphore, #tpu.memory_space<semaphore_mem>>) src(%dma_wait3A_25 : memref<10000x128xf32, #tpu.memory_space<hbm>>) dst(%arg9 : memref<128x128xf32, #tpu.memory_space<vmem>>)
      "tpu.region"() ({
        %run_scoped3A = tpu.sem_alloc : memref<!tpu.dma_semaphore, #tpu.memory_space<semaphore_mem>>
        %dma_start3A_26 = arith.constant 0 : i32
        %dma_start3A_27 = tpu.memref_slice %arg8[%scan3A_15, %dma_start3A_26] : memref<79x128xi32, #tpu.memory_space<vmem>> -> memref<1x128xi32, #tpu.memory_space<vmem>>
        %dma_start3A_28 = tpu.memref_squeeze %dma_start3A_27 : memref<1x128xi32, #tpu.memory_space<vmem>> -> memref<128xi32, #tpu.memory_space<vmem>>
        %dma_start3A_29 = arith.constant 0 : i32
        %dma_start3A_30 = arith.constant 0 : i32
        %dma_start3A_31 = tpu.memref_slice %arg10[%dma_start3A_29, %dma_start3A_30] : memref<10112x128xf32, #tpu.memory_space<vmem_shared>> -> memref<10112x128xf32, #tpu.memory_space<vmem_shared>>
        tpu.enqueue_indirect_dma source(%arg9 : memref<128x128xf32, #tpu.memory_space<vmem>>) target(%dma_start3A_31 : memref<10112x128xf32, #tpu.memory_space<vmem_shared>>) offsets(%dma_start3A_28 : memref<128xi32, #tpu.memory_space<vmem>>) semaphore(%run_scoped3A : memref<!tpu.dma_semaphore, #tpu.memory_space<semaphore_mem>>) {add = true}
        %dma_wait3A_32 = arith.constant 0 : i32
        %dma_wait3A_33 = tpu.memref_slice %arg8[%scan3A_15, %dma_wait3A_32] : memref<79x128xi32, #tpu.memory_space<vmem>> -> memref<1x128xi32, #tpu.memory_space<vmem>>
        %dma_wait3A_34 = tpu.memref_squeeze %dma_wait3A_33 : memref<1x128xi32, #tpu.memory_space<vmem>> -> memref<128xi32, #tpu.memory_space<vmem>>
        %dma_wait3A_35 = arith.constant 0 : i32
        %dma_wait3A_36 = arith.constant 0 : i32
        %dma_wait3A_37 = tpu.memref_slice %arg10[%dma_wait3A_35, %dma_wait3A_36] : memref<10112x128xf32, #tpu.memory_space<vmem_shared>> -> memref<10112x128xf32, #tpu.memory_space<vmem_shared>>
        tpu.wait_indirect_dma semaphore(%run_scoped3A : memref<!tpu.dma_semaphore, #tpu.memory_space<semaphore_mem>>) src(%arg9 : memref<128x128xf32, #tpu.memory_space<vmem>>) dst(%dma_wait3A_37 : memref<10112x128xf32, #tpu.memory_space<vmem_shared>>)
        tpu.yield
      }) : () -> ()
    }
    %scan3A_9 = arith.constant 79 : i32
    %barrier3A_10 = arith.constant 0 : index
    tpu.barrier barrier_id(%barrier3A_10)
    %mul3A_11 = arith.constant 632 : i32
    %mul3A_12 = arith.muli %arg1, %mul3A_11 : i32
    %mul3A_13 = arith.constant 632 : i32
    %mul3A_14 = arith.muli %arg1, %mul3A_13 : i32
    "tpu.region"() ({
      %run_scoped3A = tpu.sem_alloc : memref<!tpu.dma_semaphore, #tpu.memory_space<semaphore_mem>>
      %dma_start3A = arith.constant 0 : i32
      %dma_start3A_15 = tpu.memref_slice %arg6[%arg0, %mul3A_14, %dma_start3A] : memref<2x10112x128xf32, #tpu.memory_space<hbm>> -> memref<1x632x128xf32, #tpu.memory_space<hbm>>
      %dma_start3A_16 = tpu.memref_squeeze %dma_start3A_15 : memref<1x632x128xf32, #tpu.memory_space<hbm>> -> memref<632x128xf32, #tpu.memory_space<hbm>>
      %dma_start3A_17 = arith.constant 0 : i32
      %dma_start3A_18 = tpu.memref_slice %arg10[%mul3A_12, %dma_start3A_17] : memref<10112x128xf32, #tpu.memory_space<vmem_shared>> -> memref<632x128xf32, #tpu.memory_space<vmem_shared>>
      tpu.enqueue_dma source(%dma_start3A_18 : memref<632x128xf32, #tpu.memory_space<vmem_shared>>) target(%dma_start3A_16 : memref<632x128xf32, #tpu.memory_space<hbm>>) target_semaphore(%run_scoped3A : memref<!tpu.dma_semaphore, #tpu.memory_space<semaphore_mem>>)
      %dma_wait3A = arith.constant 0 : i32
      %dma_wait3A_19 = tpu.memref_slice %arg6[%arg0, %mul3A_14, %dma_wait3A] : memref<2x10112x128xf32, #tpu.memory_space<hbm>> -> memref<1x632x128xf32, #tpu.memory_space<hbm>>
      %dma_wait3A_20 = tpu.memref_squeeze %dma_wait3A_19 : memref<1x632x128xf32, #tpu.memory_space<hbm>> -> memref<632x128xf32, #tpu.memory_space<hbm>>
      %dma_wait3A_21 = arith.constant 0 : i32
      %dma_wait3A_22 = tpu.memref_slice %arg10[%mul3A_12, %dma_wait3A_21] : memref<10112x128xf32, #tpu.memory_space<vmem_shared>> -> memref<632x128xf32, #tpu.memory_space<vmem_shared>>
      tpu.wait_dma2 semaphore(%run_scoped3A : memref<!tpu.dma_semaphore, #tpu.memory_space<semaphore_mem>>) src(%dma_wait3A_22 : memref<632x128xf32, #tpu.memory_space<vmem_shared>>) dst(%dma_wait3A_20 : memref<632x128xf32, #tpu.memory_space<hbm>>)
      tpu.yield
    }) : () -> ()
    return
  }
}

#map = affine_map<(d0, d1) -> (0, 0)>
#map1 = affine_map<(d0, d1) -> (0, 0, 0)>
module attributes {stable_mosaic.version = 14 : i64} {
  func.func @_agg_body(%arg0: i32, %arg1: i32, %arg2: memref<10000x128xf32, #tpu.memory_space<hbm>>, %arg3: memref<32x79x128xi32, #tpu.memory_space<hbm>>, %arg4: memref<32x79x128xi32, #tpu.memory_space<hbm>>, %arg5: memref<10112x128xf32, #tpu.memory_space<hbm>>, %arg6: memref<2x10112x128xf32, #tpu.memory_space<hbm>>, %arg7: memref<79x128xi32, #tpu.memory_space<vmem>>, %arg8: memref<79x128xi32, #tpu.memory_space<vmem>>, %arg9: memref<128x128xf32, #tpu.memory_space<vmem>>, %arg10: memref<10112x128xf32, #tpu.memory_space<vmem_shared>>, %arg11: memref<!tpu.dma_semaphore, #tpu.memory_space<semaphore_mem>>) attributes {dimension_semantics = [#tpu.dimension_semantics<core_parallel>, #tpu.dimension_semantics<subcore_parallel>], iteration_bounds = array<i64: 2, 16>, scalar_prefetch = 0 : i64, scratch_operands = 5 : i64, tpu.core_type = #tpu.core_type<sc_vector_subcore>, window_params = [{transform_indices = #map}, {transform_indices = #map1}, {transform_indices = #map1}, {transform_indices = #map}, {transform_indices = #map1}]} {
    %mul3A = arith.constant 16 : i32
    %mul3A_0 = arith.muli %arg0, %mul3A : i32
    %add3A = arith.addi %mul3A_0, %arg1 : i32
    "tpu.region"() ({
      %run_scoped3A = tpu.sem_alloc : memref<!tpu.dma_semaphore, #tpu.memory_space<semaphore_mem>>
      %dma_start3A = arith.constant 0 : i32
      %dma_start3A_15 = arith.constant 0 : i32
      %dma_start3A_16 = tpu.memref_slice %arg3[%add3A, %dma_start3A, %dma_start3A_15] : memref<32x79x128xi32, #tpu.memory_space<hbm>> -> memref<1x79x128xi32, #tpu.memory_space<hbm>>
      %dma_start3A_17 = tpu.memref_squeeze %dma_start3A_16 : memref<1x79x128xi32, #tpu.memory_space<hbm>> -> memref<79x128xi32, #tpu.memory_space<hbm>>
      %dma_start3A_18 = arith.constant 0 : i32
      %dma_start3A_19 = arith.constant 0 : i32
      %dma_start3A_20 = tpu.memref_slice %arg3[%add3A, %dma_start3A_18, %dma_start3A_19] : memref<32x79x128xi32, #tpu.memory_space<hbm>> -> memref<1x79x128xi32, #tpu.memory_space<hbm>>
      %dma_start3A_21 = tpu.memref_squeeze %dma_start3A_20 : memref<1x79x128xi32, #tpu.memory_space<hbm>> -> memref<79x128xi32, #tpu.memory_space<hbm>>
      tpu.enqueue_dma source(%dma_start3A_21 : memref<79x128xi32, #tpu.memory_space<hbm>>) target(%arg7 : memref<79x128xi32, #tpu.memory_space<vmem>>) target_semaphore(%run_scoped3A : memref<!tpu.dma_semaphore, #tpu.memory_space<semaphore_mem>>)
      %dma_wait3A = arith.constant 0 : i32
      %dma_wait3A_22 = arith.constant 0 : i32
      %dma_wait3A_23 = tpu.memref_slice %arg3[%add3A, %dma_wait3A, %dma_wait3A_22] : memref<32x79x128xi32, #tpu.memory_space<hbm>> -> memref<1x79x128xi32, #tpu.memory_space<hbm>>
      %dma_wait3A_24 = tpu.memref_squeeze %dma_wait3A_23 : memref<1x79x128xi32, #tpu.memory_space<hbm>> -> memref<79x128xi32, #tpu.memory_space<hbm>>
      %dma_wait3A_25 = arith.constant 0 : i32
      %dma_wait3A_26 = arith.constant 0 : i32
      %dma_wait3A_27 = tpu.memref_slice %arg3[%add3A, %dma_wait3A_25, %dma_wait3A_26] : memref<32x79x128xi32, #tpu.memory_space<hbm>> -> memref<1x79x128xi32, #tpu.memory_space<hbm>>
      %dma_wait3A_28 = tpu.memref_squeeze %dma_wait3A_27 : memref<1x79x128xi32, #tpu.memory_space<hbm>> -> memref<79x128xi32, #tpu.memory_space<hbm>>
      tpu.wait_dma2 semaphore(%run_scoped3A : memref<!tpu.dma_semaphore, #tpu.memory_space<semaphore_mem>>) src(%dma_wait3A_28 : memref<79x128xi32, #tpu.memory_space<hbm>>) dst(%arg7 : memref<79x128xi32, #tpu.memory_space<vmem>>)
      tpu.yield
    }) : () -> ()
    "tpu.region"() ({
      %run_scoped3A = tpu.sem_alloc : memref<!tpu.dma_semaphore, #tpu.memory_space<semaphore_mem>>
      %dma_start3A = arith.constant 0 : i32
      %dma_start3A_15 = arith.constant 0 : i32
      %dma_start3A_16 = tpu.memref_slice %arg4[%add3A, %dma_start3A, %dma_start3A_15] : memref<32x79x128xi32, #tpu.memory_space<hbm>> -> memref<1x79x128xi32, #tpu.memory_space<hbm>>
      %dma_start3A_17 = tpu.memref_squeeze %dma_start3A_16 : memref<1x79x128xi32, #tpu.memory_space<hbm>> -> memref<79x128xi32, #tpu.memory_space<hbm>>
      %dma_start3A_18 = arith.constant 0 : i32
      %dma_start3A_19 = arith.constant 0 : i32
      %dma_start3A_20 = tpu.memref_slice %arg4[%add3A, %dma_start3A_18, %dma_start3A_19] : memref<32x79x128xi32, #tpu.memory_space<hbm>> -> memref<1x79x128xi32, #tpu.memory_space<hbm>>
      %dma_start3A_21 = tpu.memref_squeeze %dma_start3A_20 : memref<1x79x128xi32, #tpu.memory_space<hbm>> -> memref<79x128xi32, #tpu.memory_space<hbm>>
      tpu.enqueue_dma source(%dma_start3A_21 : memref<79x128xi32, #tpu.memory_space<hbm>>) target(%arg8 : memref<79x128xi32, #tpu.memory_space<vmem>>) target_semaphore(%run_scoped3A : memref<!tpu.dma_semaphore, #tpu.memory_space<semaphore_mem>>)
      %dma_wait3A = arith.constant 0 : i32
      %dma_wait3A_22 = arith.constant 0 : i32
      %dma_wait3A_23 = tpu.memref_slice %arg4[%add3A, %dma_wait3A, %dma_wait3A_22] : memref<32x79x128xi32, #tpu.memory_space<hbm>> -> memref<1x79x128xi32, #tpu.memory_space<hbm>>
      %dma_wait3A_24 = tpu.memref_squeeze %dma_wait3A_23 : memref<1x79x128xi32, #tpu.memory_space<hbm>> -> memref<79x128xi32, #tpu.memory_space<hbm>>
      %dma_wait3A_25 = arith.constant 0 : i32
      %dma_wait3A_26 = arith.constant 0 : i32
      %dma_wait3A_27 = tpu.memref_slice %arg4[%add3A, %dma_wait3A_25, %dma_wait3A_26] : memref<32x79x128xi32, #tpu.memory_space<hbm>> -> memref<1x79x128xi32, #tpu.memory_space<hbm>>
      %dma_wait3A_28 = tpu.memref_squeeze %dma_wait3A_27 : memref<1x79x128xi32, #tpu.memory_space<hbm>> -> memref<79x128xi32, #tpu.memory_space<hbm>>
      tpu.wait_dma2 semaphore(%run_scoped3A : memref<!tpu.dma_semaphore, #tpu.memory_space<semaphore_mem>>) src(%dma_wait3A_28 : memref<79x128xi32, #tpu.memory_space<hbm>>) dst(%arg8 : memref<79x128xi32, #tpu.memory_space<vmem>>)
      tpu.yield
    }) : () -> ()
    %mul3A_1 = arith.constant 632 : i32
    %mul3A_2 = arith.muli %arg1, %mul3A_1 : i32
    %mul3A_3 = arith.constant 632 : i32
    %mul3A_4 = arith.muli %arg1, %mul3A_3 : i32
    "tpu.region"() ({
      %run_scoped3A = tpu.sem_alloc : memref<!tpu.dma_semaphore, #tpu.memory_space<semaphore_mem>>
      %dma_start3A = arith.constant 0 : i32
      %dma_start3A_15 = tpu.memref_slice %arg10[%mul3A_4, %dma_start3A] : memref<10112x128xf32, #tpu.memory_space<vmem_shared>> -> memref<632x128xf32, #tpu.memory_space<vmem_shared>>
      %dma_start3A_16 = arith.constant 0 : i32
      %dma_start3A_17 = tpu.memref_slice %arg5[%mul3A_2, %dma_start3A_16] : memref<10112x128xf32, #tpu.memory_space<hbm>> -> memref<632x128xf32, #tpu.memory_space<hbm>>
      tpu.enqueue_dma source(%dma_start3A_17 : memref<632x128xf32, #tpu.memory_space<hbm>>) target(%dma_start3A_15 : memref<632x128xf32, #tpu.memory_space<vmem_shared>>) target_semaphore(%run_scoped3A : memref<!tpu.dma_semaphore, #tpu.memory_space<semaphore_mem>>)
      %dma_wait3A = arith.constant 0 : i32
      %dma_wait3A_18 = tpu.memref_slice %arg10[%mul3A_4, %dma_wait3A] : memref<10112x128xf32, #tpu.memory_space<vmem_shared>> -> memref<632x128xf32, #tpu.memory_space<vmem_shared>>
      %dma_wait3A_19 = arith.constant 0 : i32
      %dma_wait3A_20 = tpu.memref_slice %arg5[%mul3A_2, %dma_wait3A_19] : memref<10112x128xf32, #tpu.memory_space<hbm>> -> memref<632x128xf32, #tpu.memory_space<hbm>>
      tpu.wait_dma2 semaphore(%run_scoped3A : memref<!tpu.dma_semaphore, #tpu.memory_space<semaphore_mem>>) src(%dma_wait3A_20 : memref<632x128xf32, #tpu.memory_space<hbm>>) dst(%dma_wait3A_18 : memref<632x128xf32, #tpu.memory_space<vmem_shared>>)
      tpu.yield
    }) : () -> ()
    %barrier3A = arith.constant 0 : index
    tpu.barrier barrier_id(%barrier3A)
    %scan3A = arith.constant 0 : i32
    %scan3A_5 = arith.constant 0 : i32
    %scan3A_6 = arith.constant 79 : i32
    %scan3A_7 = arith.addi %scan3A_5, %scan3A_6 : i32
    %scan3A_8 = arith.constant 1 : i32
    scf.for %scan3A_15 = %scan3A_5 to %scan3A_7 step %scan3A_8  : i32 {
      %dma_start3A = arith.constant 0 : i32
      %dma_start3A_16 = tpu.memref_slice %arg7[%scan3A_15, %dma_start3A] : memref<79x128xi32, #tpu.memory_space<vmem>> -> memref<1x128xi32, #tpu.memory_space<vmem>>
      %dma_start3A_17 = tpu.memref_squeeze %dma_start3A_16 : memref<1x128xi32, #tpu.memory_space<vmem>> -> memref<128xi32, #tpu.memory_space<vmem>>
      %dma_start3A_18 = arith.constant 0 : i32
      %dma_start3A_19 = arith.constant 0 : i32
      %dma_start3A_20 = tpu.memref_slice %arg2[%dma_start3A_18, %dma_start3A_19] : memref<10000x128xf32, #tpu.memory_space<hbm>> -> memref<10000x128xf32, #tpu.memory_space<hbm>>
      tpu.enqueue_indirect_dma source(%dma_start3A_20 : memref<10000x128xf32, #tpu.memory_space<hbm>>) target(%arg9 : memref<128x128xf32, #tpu.memory_space<vmem>>) offsets(%dma_start3A_17 : memref<128xi32, #tpu.memory_space<vmem>>) semaphore(%arg11 : memref<!tpu.dma_semaphore, #tpu.memory_space<semaphore_mem>>)
      %dma_wait3A = arith.constant 0 : i32
      %dma_wait3A_21 = tpu.memref_slice %arg7[%scan3A_15, %dma_wait3A] : memref<79x128xi32, #tpu.memory_space<vmem>> -> memref<1x128xi32, #tpu.memory_space<vmem>>
      %dma_wait3A_22 = tpu.memref_squeeze %dma_wait3A_21 : memref<1x128xi32, #tpu.memory_space<vmem>> -> memref<128xi32, #tpu.memory_space<vmem>>
      %dma_wait3A_23 = arith.constant 0 : i32
      %dma_wait3A_24 = arith.constant 0 : i32
      %dma_wait3A_25 = tpu.memref_slice %arg2[%dma_wait3A_23, %dma_wait3A_24] : memref<10000x128xf32, #tpu.memory_space<hbm>> -> memref<10000x128xf32, #tpu.memory_space<hbm>>
      tpu.wait_indirect_dma semaphore(%arg11 : memref<!tpu.dma_semaphore, #tpu.memory_space<semaphore_mem>>) src(%dma_wait3A_25 : memref<10000x128xf32, #tpu.memory_space<hbm>>) dst(%arg9 : memref<128x128xf32, #tpu.memory_space<vmem>>)
      "tpu.region"() ({
        %run_scoped3A = tpu.sem_alloc : memref<!tpu.dma_semaphore, #tpu.memory_space<semaphore_mem>>
        %dma_start3A_26 = arith.constant 0 : i32
        %dma_start3A_27 = tpu.memref_slice %arg8[%scan3A_15, %dma_start3A_26] : memref<79x128xi32, #tpu.memory_space<vmem>> -> memref<1x128xi32, #tpu.memory_space<vmem>>
        %dma_start3A_28 = tpu.memref_squeeze %dma_start3A_27 : memref<1x128xi32, #tpu.memory_space<vmem>> -> memref<128xi32, #tpu.memory_space<vmem>>
        %dma_start3A_29 = arith.constant 0 : i32
        %dma_start3A_30 = arith.constant 0 : i32
        %dma_start3A_31 = tpu.memref_slice %arg10[%dma_start3A_29, %dma_start3A_30] : memref<10112x128xf32, #tpu.memory_space<vmem_shared>> -> memref<10112x128xf32, #tpu.memory_space<vmem_shared>>
        tpu.enqueue_indirect_dma source(%arg9 : memref<128x128xf32, #tpu.memory_space<vmem>>) target(%dma_start3A_31 : memref<10112x128xf32, #tpu.memory_space<vmem_shared>>) offsets(%dma_start3A_28 : memref<128xi32, #tpu.memory_space<vmem>>) semaphore(%run_scoped3A : memref<!tpu.dma_semaphore, #tpu.memory_space<semaphore_mem>>) {add = true}
        %dma_wait3A_32 = arith.constant 0 : i32
        %dma_wait3A_33 = tpu.memref_slice %arg8[%scan3A_15, %dma_wait3A_32] : memref<79x128xi32, #tpu.memory_space<vmem>> -> memref<1x128xi32, #tpu.memory_space<vmem>>
        %dma_wait3A_34 = tpu.memref_squeeze %dma_wait3A_33 : memref<1x128xi32, #tpu.memory_space<vmem>> -> memref<128xi32, #tpu.memory_space<vmem>>
        %dma_wait3A_35 = arith.constant 0 : i32
        %dma_wait3A_36 = arith.constant 0 : i32
        %dma_wait3A_37 = tpu.memref_slice %arg10[%dma_wait3A_35, %dma_wait3A_36] : memref<10112x128xf32, #tpu.memory_space<vmem_shared>> -> memref<10112x128xf32, #tpu.memory_space<vmem_shared>>
        tpu.wait_indirect_dma semaphore(%run_scoped3A : memref<!tpu.dma_semaphore, #tpu.memory_space<semaphore_mem>>) src(%arg9 : memref<128x128xf32, #tpu.memory_space<vmem>>) dst(%dma_wait3A_37 : memref<10112x128xf32, #tpu.memory_space<vmem_shared>>)
        tpu.yield
      }) : () -> ()
    }
    %scan3A_9 = arith.constant 79 : i32
    %barrier3A_10 = arith.constant 0 : index
    tpu.barrier barrier_id(%barrier3A_10)
    %mul3A_11 = arith.constant 632 : i32
    %mul3A_12 = arith.muli %arg1, %mul3A_11 : i32
    %mul3A_13 = arith.constant 632 : i32
    %mul3A_14 = arith.muli %arg1, %mul3A_13 : i32
    "tpu.region"() ({
      %run_scoped3A = tpu.sem_alloc : memref<!tpu.dma_semaphore, #tpu.memory_space<semaphore_mem>>
      %dma_start3A = arith.constant 0 : i32
      %dma_start3A_15 = tpu.memref_slice %arg6[%arg0, %mul3A_14, %dma_start3A] : memref<2x10112x128xf32, #tpu.memory_space<hbm>> -> memref<1x632x128xf32, #tpu.memory_space<hbm>>
      %dma_start3A_16 = tpu.memref_squeeze %dma_start3A_15 : memref<1x632x128xf32, #tpu.memory_space<hbm>> -> memref<632x128xf32, #tpu.memory_space<hbm>>
      %dma_start3A_17 = arith.constant 0 : i32
      %dma_start3A_18 = tpu.memref_slice %arg10[%mul3A_12, %dma_start3A_17] : memref<10112x128xf32, #tpu.memory_space<vmem_shared>> -> memref<632x128xf32, #tpu.memory_space<vmem_shared>>
      tpu.enqueue_dma source(%dma_start3A_18 : memref<632x128xf32, #tpu.memory_space<vmem_shared>>) target(%dma_start3A_16 : memref<632x128xf32, #tpu.memory_space<hbm>>) target_semaphore(%run_scoped3A : memref<!tpu.dma_semaphore, #tpu.memory_space<semaphore_mem>>)
      %dma_wait3A = arith.constant 0 : i32
      %dma_wait3A_19 = tpu.memref_slice %arg6[%arg0, %mul3A_14, %dma_wait3A] : memref<2x10112x128xf32, #tpu.memory_space<hbm>> -> memref<1x632x128xf32, #tpu.memory_space<hbm>>
      %dma_wait3A_20 = tpu.memref_squeeze %dma_wait3A_19 : memref<1x632x128xf32, #tpu.memory_space<hbm>> -> memref<632x128xf32, #tpu.memory_space<hbm>>
      %dma_wait3A_21 = arith.constant 0 : i32
      %dma_wait3A_22 = tpu.memref_slice %arg10[%mul3A_12, %dma_wait3A_21] : memref<10112x128xf32, #tpu.memory_space<vmem_shared>> -> memref<632x128xf32, #tpu.memory_space<vmem_shared>>
      tpu.wait_dma2 semaphore(%run_scoped3A : memref<!tpu.dma_semaphore, #tpu.memory_space<semaphore_mem>>) src(%dma_wait3A_22 : memref<632x128xf32, #tpu.memory_space<vmem_shared>>) dst(%dma_wait3A_20 : memref<632x128xf32, #tpu.memory_space<hbm>>)
      tpu.yield
    }) : () -> ()
    return
  }
}

module attributes {stable_mosaic.version = 14 : i64} {
  func.func @_tc1_body(%arg0: i32, %arg1: memref<2x1000x128xf32, #tpu.memory_space<vmem>>, %arg2: memref<1000x128xf32, #tpu.memory_space<vmem>>, %arg3: memref<128x128xf32, #tpu.memory_space<vmem>>, %arg4: memref<1000x128xf32, #tpu.memory_space<vmem>>, %arg5: memref<1000x128xf32, #tpu.memory_space<vmem>>) attributes {dimension_semantics = [#tpu.dimension_semantics<arbitrary>], iteration_bounds = array<i64: 10>, scalar_prefetch = 0 : i64, scratch_operands = 0 : i64, tpu.core_type = #tpu.core_type<tc>, window_params = [{transform_indices = @transform_0, window_bounds = array<i64: 2, 1000, 128>}, {transform_indices = @transform_1, window_bounds = array<i64: 1000, 128>}, {pipeline_mode = #tpu.pipeline_mode<synchronous>, transform_indices = @transform_2, window_bounds = array<i64: 128, 128>}, {transform_indices = @transform_3, window_bounds = array<i64: 1000, 128>}, {transform_indices = @transform_4, window_bounds = array<i64: 1000, 128>}]} {
    %get3A = arith.constant 0 : index
    %get3A_0 = arith.constant 0 : index
    %get3A_1 = arith.constant 0 : index
    %get3A_2 = vector.load %arg1[%get3A, %get3A_0, %get3A_1] : memref<2x1000x128xf32, #tpu.memory_space<vmem>>, vector<1x1000x1xf32>
    %get3A_3 = vector.shape_cast %get3A_2 : vector<1x1000x1xf32> to vector<1000x1xf32>
    %get3A_4 = arith.constant 1 : index
    %get3A_5 = arith.constant 0 : index
    %get3A_6 = arith.constant 0 : index
    %get3A_7 = vector.load %arg1[%get3A_4, %get3A_5, %get3A_6] : memref<2x1000x128xf32, #tpu.memory_space<vmem>>, vector<1x1000x1xf32>
    %get3A_8 = vector.shape_cast %get3A_7 : vector<1x1000x1xf32> to vector<1000x1xf32>
    %add3A = arith.addf %get3A_3, %get3A_8 : vector<1000x1xf32>
    %add3A_9 = arith.constant 1.000000e+00 : f32
    %add3A_10 = vector.broadcast %add3A_9 : f32 to vector<1000x1xf32>
    %add3A_11 = arith.addf %add3A, %add3A_10 : vector<1000x1xf32>
    %rsqrt3A = math.rsqrt %add3A_11 : vector<1000x1xf32>
    %get3A_12 = arith.constant 0 : index
    %get3A_13 = arith.constant 0 : index
    %get3A_14 = vector.load %arg2[%get3A_12, %get3A_13] : memref<1000x128xf32, #tpu.memory_space<vmem>>, vector<1000x128xf32>
    %get3A_15 = arith.constant 0 : index
    %get3A_16 = arith.constant 0 : index
    %get3A_17 = vector.load %arg3[%get3A_15, %get3A_16] : memref<128x128xf32, #tpu.memory_space<vmem>>, vector<128x128xf32>
    %dot_general3A = arith.constant dense<0.000000e+00> : vector<1000x128xf32>
    %dot_general3A_18 = tpu.matmul %get3A_14, %get3A_17, %dot_general3A {dimension_numbers = #tpu.dot_dimension_numbers<[1], [0], [0], [1], [0, 0, 1, 1], [], []>, transpose_lhs_hint = false} : vector<1000x128xf32>, vector<128x128xf32>, vector<1000x128xf32> -> vector<1000x128xf32>
    %mul3A = vector.broadcast %rsqrt3A : vector<1000x1xf32> to vector<1000x128xf32>
    %mul3A_19 = arith.mulf %dot_general3A_18, %mul3A : vector<1000x128xf32>
    %swap3A = arith.constant 0 : index
    %swap3A_20 = arith.constant 0 : index
    %swap3A_21 = vector.load %arg4[%swap3A, %swap3A_20] : memref<1000x128xf32, #tpu.memory_space<vmem>>, vector<1000x128xf32>
    tpu.vector_store %arg4[%swap3A, %swap3A_20], %mul3A_19 {strides = array<i32>} : memref<1000x128xf32, #tpu.memory_space<vmem>>, vector<1000x128xf32>,
    %broadcast_in_dim3A = vector.shape_cast %rsqrt3A : vector<1000x1xf32> to vector<1000x1xf32>
    %broadcast_in_dim3A_22 = vector.broadcast %broadcast_in_dim3A : vector<1000x1xf32> to vector<1000x128xf32>
    %swap3A_23 = arith.constant 0 : index
    %swap3A_24 = arith.constant 0 : index
    %swap3A_25 = vector.load %arg5[%swap3A_23, %swap3A_24] : memref<1000x128xf32, #tpu.memory_space<vmem>>, vector<1000x128xf32>
    tpu.vector_store %arg5[%swap3A_23, %swap3A_24], %broadcast_in_dim3A_22 {strides = array<i32>} : memref<1000x128xf32, #tpu.memory_space<vmem>>, vector<1000x128xf32>,
    return
  }
  func.func @transform_0(%arg0: i32) -> (i32, i32, i32) {
    %c0_i32 = arith.constant 0 : i32
    %c0_i32_0 = arith.constant 0 : i32
    %c0_i32_1 = arith.constant 0 : i32
    return %c0_i32, %arg0, %c0_i32_0 : i32, i32, i32
  }
  func.func @transform_1(%arg0: i32) -> (i32, i32) {
    %c0_i32 = arith.constant 0 : i32
    %c0_i32_0 = arith.constant 0 : i32
    return %arg0, %c0_i32 : i32, i32
  }
  func.func @transform_2(%arg0: i32) -> (i32, i32) {
    %c0_i32 = arith.constant 0 : i32
    %c0_i32_0 = arith.constant 0 : i32
    %c0_i32_1 = arith.constant 0 : i32
    return %c0_i32, %c0_i32_0 : i32, i32
  }
  func.func @transform_3(%arg0: i32) -> (i32, i32) {
    %c0_i32 = arith.constant 0 : i32
    %c0_i32_0 = arith.constant 0 : i32
    return %arg0, %c0_i32 : i32, i32
  }
  func.func @transform_4(%arg0: i32) -> (i32, i32) {
    %c0_i32 = arith.constant 0 : i32
    %c0_i32_0 = arith.constant 0 : i32
    return %arg0, %c0_i32 : i32, i32
  }
}

module attributes {stable_mosaic.version = 14 : i64} {
  func.func @_tc2_body(%arg0: i32, %arg1: memref<2x1000x128xf32, #tpu.memory_space<vmem>>, %arg2: memref<1000x128xf32, #tpu.memory_space<vmem>>, %arg3: memref<1000x128xf32, #tpu.memory_space<vmem>>, %arg4: memref<1x128xf32, #tpu.memory_space<vmem>>, %arg5: memref<128x64xf32, #tpu.memory_space<vmem>>, %arg6: memref<1000x128xf32, #tpu.memory_space<vmem>>, %arg7: memref<1000x128xf32, #tpu.memory_space<vmem>>) attributes {dimension_semantics = [#tpu.dimension_semantics<arbitrary>], iteration_bounds = array<i64: 10>, scalar_prefetch = 0 : i64, scratch_operands = 0 : i64, tpu.core_type = #tpu.core_type<tc>, window_params = [{transform_indices = @transform_0, window_bounds = array<i64: 2, 1000, 128>}, {transform_indices = @transform_1, window_bounds = array<i64: 1000, 128>}, {transform_indices = @transform_2, window_bounds = array<i64: 1000, 128>}, {pipeline_mode = #tpu.pipeline_mode<synchronous>, transform_indices = @transform_3, window_bounds = array<i64: 1, 128>}, {pipeline_mode = #tpu.pipeline_mode<synchronous>, transform_indices = @transform_4, window_bounds = array<i64: 128, 64>}, {transform_indices = @transform_5, window_bounds = array<i64: 1000, 128>}, {transform_indices = @transform_6, window_bounds = array<i64: 1000, 128>}]} {
    %get3A = arith.constant 0 : index
    %get3A_0 = arith.constant 0 : index
    %get3A_1 = arith.constant 0 : index
    %get3A_2 = vector.load %arg1[%get3A, %get3A_0, %get3A_1] : memref<2x1000x128xf32, #tpu.memory_space<vmem>>, vector<1x1000x128xf32>
    %get3A_3 = vector.shape_cast %get3A_2 : vector<1x1000x128xf32> to vector<1000x128xf32>
    %get3A_4 = arith.constant 1 : index
    %get3A_5 = arith.constant 0 : index
    %get3A_6 = arith.constant 0 : index
    %get3A_7 = vector.load %arg1[%get3A_4, %get3A_5, %get3A_6] : memref<2x1000x128xf32, #tpu.memory_space<vmem>>, vector<1x1000x128xf32>
    %get3A_8 = vector.shape_cast %get3A_7 : vector<1x1000x128xf32> to vector<1000x128xf32>
    %add3A = arith.addf %get3A_3, %get3A_8 : vector<1000x128xf32>
    %get3A_9 = arith.constant 0 : index
    %get3A_10 = arith.constant 0 : index
    %get3A_11 = vector.load %arg2[%get3A_9, %get3A_10] : memref<1000x128xf32, #tpu.memory_space<vmem>>, vector<1000x128xf32>
    %add3A_12 = arith.addf %add3A, %get3A_11 : vector<1000x128xf32>
    %get3A_13 = arith.constant 0 : index
    %get3A_14 = arith.constant 0 : index
    %get3A_15 = vector.load %arg3[%get3A_13, %get3A_14] : memref<1000x128xf32, #tpu.memory_space<vmem>>, vector<1000x128xf32>
    %mul3A = arith.mulf %get3A_15, %add3A_12 : vector<1000x128xf32>
    %get3A_16 = arith.constant 0 : index
    %get3A_17 = arith.constant 0 : index
    %get3A_18 = vector.load %arg4[%get3A_16, %get3A_17] : memref<1x128xf32, #tpu.memory_space<vmem>>, vector<1x128xf32>
    %add3A_19 = vector.broadcast %get3A_18 : vector<1x128xf32> to vector<1000x128xf32>
    %add3A_20 = arith.addf %mul3A, %add3A_19 : vector<1000x128xf32>
    %max3A = arith.constant 0.000000e+00 : f32
    %max3A_21 = vector.broadcast %max3A : f32 to vector<1000x128xf32>
    %max3A_22 = arith.maximumf %add3A_20, %max3A_21 : vector<1000x128xf32>
    %swap3A = arith.constant 0 : index
    %swap3A_23 = arith.constant 0 : index
    %swap3A_24 = vector.load %arg6[%swap3A, %swap3A_23] : memref<1000x128xf32, #tpu.memory_space<vmem>>, vector<1000x128xf32>
    tpu.vector_store %arg6[%swap3A, %swap3A_23], %max3A_22 {strides = array<i32>} : memref<1000x128xf32, #tpu.memory_space<vmem>>, vector<1000x128xf32>,
    %get3A_25 = arith.constant 0 : index
    %get3A_26 = arith.constant 0 : index
    %get3A_27 = vector.load %arg5[%get3A_25, %get3A_26] : memref<128x64xf32, #tpu.memory_space<vmem>>, vector<128x64xf32>
    %dot_general3A = arith.constant dense<0.000000e+00> : vector<1000x64xf32>
    %dot_general3A_28 = tpu.matmul %max3A_22, %get3A_27, %dot_general3A {dimension_numbers = #tpu.dot_dimension_numbers<[1], [0], [0], [1], [0, 0, 1, 1], [], []>, transpose_lhs_hint = false} : vector<1000x128xf32>, vector<128x64xf32>, vector<1000x64xf32> -> vector<1000x64xf32>
    %get3A_29 = arith.constant 0 : index
    %get3A_30 = arith.constant 0 : index
    %get3A_31 = vector.load %arg3[%get3A_29, %get3A_30] : memref<1000x128xf32, #tpu.memory_space<vmem>>, vector<1000x64xf32>
    %mul3A_32 = arith.mulf %dot_general3A_28, %get3A_31 : vector<1000x64xf32>
    %broadcast_in_dim3A = arith.constant 0.000000e+00 : f32
    %broadcast_in_dim3A_33 = vector.broadcast %broadcast_in_dim3A : f32 to vector<1000x64xf32>
    %concatenate3A = tpu.concatenate %mul3A_32, %broadcast_in_dim3A_33 in 1 : vector<1000x64xf32>, vector<1000x64xf32> -> vector<1000x128xf32>
    %swap3A_34 = arith.constant 0 : index
    %swap3A_35 = arith.constant 0 : index
    %swap3A_36 = vector.load %arg7[%swap3A_34, %swap3A_35] : memref<1000x128xf32, #tpu.memory_space<vmem>>, vector<1000x128xf32>
    tpu.vector_store %arg7[%swap3A_34, %swap3A_35], %concatenate3A {strides = array<i32>} : memref<1000x128xf32, #tpu.memory_space<vmem>>, vector<1000x128xf32>,
    return
  }
  func.func @transform_0(%arg0: i32) -> (i32, i32, i32) {
    %c0_i32 = arith.constant 0 : i32
    %c0_i32_0 = arith.constant 0 : i32
    %c0_i32_1 = arith.constant 0 : i32
    return %c0_i32, %arg0, %c0_i32_0 : i32, i32, i32
  }
  func.func @transform_1(%arg0: i32) -> (i32, i32) {
    %c0_i32 = arith.constant 0 : i32
    %c0_i32_0 = arith.constant 0 : i32
    return %arg0, %c0_i32 : i32, i32
  }
  func.func @transform_2(%arg0: i32) -> (i32, i32) {
    %c0_i32 = arith.constant 0 : i32
    %c0_i32_0 = arith.constant 0 : i32
    return %arg0, %c0_i32 : i32, i32
  }
  func.func @transform_3(%arg0: i32) -> (i32, i32) {
    %c0_i32 = arith.constant 0 : i32
    %c0_i32_0 = arith.constant 0 : i32
    %c0_i32_1 = arith.constant 0 : i32
    return %c0_i32, %c0_i32_0 : i32, i32
  }
  func.func @transform_4(%arg0: i32) -> (i32, i32) {
    %c0_i32 = arith.constant 0 : i32
    %c0_i32_0 = arith.constant 0 : i32
    %c0_i32_1 = arith.constant 0 : i32
    return %c0_i32, %c0_i32_0 : i32, i32
  }
  func.func @transform_5(%arg0: i32) -> (i32, i32) {
    %c0_i32 = arith.constant 0 : i32
    %c0_i32_0 = arith.constant 0 : i32
    return %arg0, %c0_i32 : i32, i32
  }
  func.func @transform_6(%arg0: i32) -> (i32, i32) {
    %c0_i32 = arith.constant 0 : i32
    %c0_i32_0 = arith.constant 0 : i32
    return %arg0, %c0_i32 : i32, i32
  }
}

module attributes {stable_mosaic.version = 14 : i64} {
  func.func @_tc3_body(%arg0: i32, %arg1: memref<2x1000x64xf32, #tpu.memory_space<vmem>>, %arg2: memref<1000x128xf32, #tpu.memory_space<vmem>>, %arg3: memref<1000x128xf32, #tpu.memory_space<vmem>>, %arg4: memref<1x64xf32, #tpu.memory_space<vmem>>, %arg5: memref<1000x128xf32, #tpu.memory_space<vmem>>, %arg6: memref<1000x128xf32, #tpu.memory_space<vmem>>, %arg7: memref<128x64xf32, #tpu.memory_space<vmem>>, %arg8: memref<128x64xf32, #tpu.memory_space<vmem>>, %arg9: memref<64x64xf32, #tpu.memory_space<vmem>>, %arg10: memref<1x64xf32, #tpu.memory_space<vmem>>, %arg11: memref<1000x64xf32, #tpu.memory_space<vmem>>) attributes {dimension_semantics = [#tpu.dimension_semantics<arbitrary>], iteration_bounds = array<i64: 10>, scalar_prefetch = 0 : i64, scratch_operands = 0 : i64, tpu.core_type = #tpu.core_type<tc>, window_params = [{transform_indices = @transform_0, window_bounds = array<i64: 2, 1000, 64>}, {transform_indices = @transform_1, window_bounds = array<i64: 1000, 128>}, {transform_indices = @transform_2, window_bounds = array<i64: 1000, 128>}, {pipeline_mode = #tpu.pipeline_mode<synchronous>, transform_indices = @transform_3, window_bounds = array<i64: 1, 64>}, {transform_indices = @transform_4, window_bounds = array<i64: 1000, 128>}, {transform_indices = @transform_5, window_bounds = array<i64: 1000, 128>}, {pipeline_mode = #tpu.pipeline_mode<synchronous>, transform_indices = @transform_6, window_bounds = array<i64: 128, 64>}, {pipeline_mode = #tpu.pipeline_mode<synchronous>, transform_indices = @transform_7, window_bounds = array<i64: 128, 64>}, {pipeline_mode = #tpu.pipeline_mode<synchronous>, transform_indices = @transform_8, window_bounds = array<i64: 64, 64>}, {pipeline_mode = #tpu.pipeline_mode<synchronous>, transform_indices = @transform_9, window_bounds = array<i64: 1, 64>}, {transform_indices = @transform_10, window_bounds = array<i64: 1000, 64>}]} {
    %get3A = arith.constant 0 : index
    %get3A_0 = arith.constant 0 : index
    %get3A_1 = vector.load %arg3[%get3A, %get3A_0] : memref<1000x128xf32, #tpu.memory_space<vmem>>, vector<1000x64xf32>
    %get3A_2 = arith.constant 0 : index
    %get3A_3 = arith.constant 0 : index
    %get3A_4 = arith.constant 0 : index
    %get3A_5 = vector.load %arg1[%get3A_2, %get3A_3, %get3A_4] : memref<2x1000x64xf32, #tpu.memory_space<vmem>>, vector<1x1000x64xf32>
    %get3A_6 = vector.shape_cast %get3A_5 : vector<1x1000x64xf32> to vector<1000x64xf32>
    %get3A_7 = arith.constant 1 : index
    %get3A_8 = arith.constant 0 : index
    %get3A_9 = arith.constant 0 : index
    %get3A_10 = vector.load %arg1[%get3A_7, %get3A_8, %get3A_9] : memref<2x1000x64xf32, #tpu.memory_space<vmem>>, vector<1x1000x64xf32>
    %get3A_11 = vector.shape_cast %get3A_10 : vector<1x1000x64xf32> to vector<1000x64xf32>
    %add3A = arith.addf %get3A_6, %get3A_11 : vector<1000x64xf32>
    %get3A_12 = arith.constant 0 : index
    %get3A_13 = arith.constant 0 : index
    %get3A_14 = vector.load %arg2[%get3A_12, %get3A_13] : memref<1000x128xf32, #tpu.memory_space<vmem>>, vector<1000x64xf32>
    %add3A_15 = arith.addf %add3A, %get3A_14 : vector<1000x64xf32>
    %mul3A = arith.mulf %get3A_1, %add3A_15 : vector<1000x64xf32>
    %get3A_16 = arith.constant 0 : index
    %get3A_17 = arith.constant 0 : index
    %get3A_18 = vector.load %arg4[%get3A_16, %get3A_17] : memref<1x64xf32, #tpu.memory_space<vmem>>, vector<1x64xf32>
    %add3A_19 = vector.broadcast %get3A_18 : vector<1x64xf32> to vector<1000x64xf32>
    %add3A_20 = arith.addf %mul3A, %add3A_19 : vector<1000x64xf32>
    %get3A_21 = arith.constant 0 : index
    %get3A_22 = arith.constant 0 : index
    %get3A_23 = vector.load %arg5[%get3A_21, %get3A_22] : memref<1000x128xf32, #tpu.memory_space<vmem>>, vector<1000x128xf32>
    %get3A_24 = arith.constant 0 : index
    %get3A_25 = arith.constant 0 : index
    %get3A_26 = vector.load %arg7[%get3A_24, %get3A_25] : memref<128x64xf32, #tpu.memory_space<vmem>>, vector<128x64xf32>
    %dot_general3A = arith.constant dense<0.000000e+00> : vector<1000x64xf32>
    %dot_general3A_27 = tpu.matmul %get3A_23, %get3A_26, %dot_general3A {dimension_numbers = #tpu.dot_dimension_numbers<[1], [0], [0], [1], [0, 0, 1, 1], [], []>, transpose_lhs_hint = false} : vector<1000x128xf32>, vector<128x64xf32>, vector<1000x64xf32> -> vector<1000x64xf32>
    %get3A_28 = arith.constant 0 : index
    %get3A_29 = arith.constant 0 : index
    %get3A_30 = vector.load %arg6[%get3A_28, %get3A_29] : memref<1000x128xf32, #tpu.memory_space<vmem>>, vector<1000x128xf32>
    %get3A_31 = arith.constant 0 : index
    %get3A_32 = arith.constant 0 : index
    %get3A_33 = vector.load %arg8[%get3A_31, %get3A_32] : memref<128x64xf32, #tpu.memory_space<vmem>>, vector<128x64xf32>
    %dot_general3A_34 = arith.constant dense<0.000000e+00> : vector<1000x64xf32>
    %dot_general3A_35 = tpu.matmul %get3A_30, %get3A_33, %dot_general3A_34 {dimension_numbers = #tpu.dot_dimension_numbers<[1], [0], [0], [1], [0, 0, 1, 1], [], []>, transpose_lhs_hint = false} : vector<1000x128xf32>, vector<128x64xf32>, vector<1000x64xf32> -> vector<1000x64xf32>
    %add3A_36 = arith.addf %dot_general3A_27, %dot_general3A_35 : vector<1000x64xf32>
    %get3A_37 = arith.constant 0 : index
    %get3A_38 = arith.constant 0 : index
    %get3A_39 = vector.load %arg9[%get3A_37, %get3A_38] : memref<64x64xf32, #tpu.memory_space<vmem>>, vector<64x64xf32>
    %dot_general3A_40 = arith.constant dense<0.000000e+00> : vector<1000x64xf32>
    %dot_general3A_41 = tpu.matmul %add3A_20, %get3A_39, %dot_general3A_40 {dimension_numbers = #tpu.dot_dimension_numbers<[1], [0], [0], [1], [0, 0, 1, 1], [], []>, transpose_lhs_hint = false} : vector<1000x64xf32>, vector<64x64xf32>, vector<1000x64xf32> -> vector<1000x64xf32>
    %add3A_42 = arith.addf %add3A_36, %dot_general3A_41 : vector<1000x64xf32>
    %get3A_43 = arith.constant 0 : index
    %get3A_44 = arith.constant 0 : index
    %get3A_45 = vector.load %arg10[%get3A_43, %get3A_44] : memref<1x64xf32, #tpu.memory_space<vmem>>, vector<1x64xf32>
    %add3A_46 = vector.broadcast %get3A_45 : vector<1x64xf32> to vector<1000x64xf32>
    %add3A_47 = arith.addf %add3A_42, %add3A_46 : vector<1000x64xf32>
    %reduce_max3A = arith.constant dense<0xFF800000> : vector<1000xf32>
    %reduce_max3A_48 = vector.multi_reduction <maximumf>, %add3A_47, %reduce_max3A [1] : vector<1000x64xf32> to vector<1000xf32>
    %broadcast_in_dim3A = vector.shape_cast %reduce_max3A_48 : vector<1000xf32> to vector<1000x1xf32>
    %sub3A = vector.broadcast %broadcast_in_dim3A : vector<1000x1xf32> to vector<1000x64xf32>
    %sub3A_49 = arith.subf %add3A_47, %sub3A : vector<1000x64xf32>
    %exp3A = math.exp %sub3A_49 : vector<1000x64xf32>
    %reduce_sum3A = arith.constant dense<0.000000e+00> : vector<1000xf32>
    %reduce_sum3A_50 = vector.multi_reduction <add>, %exp3A, %reduce_sum3A [1] : vector<1000x64xf32> to vector<1000xf32>
    %broadcast_in_dim3A_51 = vector.shape_cast %reduce_sum3A_50 : vector<1000xf32> to vector<1000x1xf32>
    %log3A = math.log %broadcast_in_dim3A_51 : vector<1000x1xf32>
    %sub3A_52 = vector.broadcast %log3A : vector<1000x1xf32> to vector<1000x64xf32>
    %sub3A_53 = arith.subf %sub3A_49, %sub3A_52 : vector<1000x64xf32>
    %swap3A = arith.constant 0 : index
    %swap3A_54 = arith.constant 0 : index
    %swap3A_55 = vector.load %arg11[%swap3A, %swap3A_54] : memref<1000x64xf32, #tpu.memory_space<vmem>>, vector<1000x64xf32>
    tpu.vector_store %arg11[%swap3A, %swap3A_54], %sub3A_53 {strides = array<i32>} : memref<1000x64xf32, #tpu.memory_space<vmem>>, vector<1000x64xf32>,
    return
  }
  func.func @transform_0(%arg0: i32) -> (i32, i32, i32) {
    %c0_i32 = arith.constant 0 : i32
    %c0_i32_0 = arith.constant 0 : i32
    %c0_i32_1 = arith.constant 0 : i32
    return %c0_i32, %arg0, %c0_i32_0 : i32, i32, i32
  }
  func.func @transform_1(%arg0: i32) -> (i32, i32) {
    %c0_i32 = arith.constant 0 : i32
    %c0_i32_0 = arith.constant 0 : i32
    return %arg0, %c0_i32 : i32, i32
  }
  func.func @transform_2(%arg0: i32) -> (i32, i32) {
    %c0_i32 = arith.constant 0 : i32
    %c0_i32_0 = arith.constant 0 : i32
    return %arg0, %c0_i32 : i32, i32
  }
  func.func @transform_3(%arg0: i32) -> (i32, i32) {
    %c0_i32 = arith.constant 0 : i32
    %c0_i32_0 = arith.constant 0 : i32
    %c0_i32_1 = arith.constant 0 : i32
    return %c0_i32, %c0_i32_0 : i32, i32
  }
  func.func @transform_4(%arg0: i32) -> (i32, i32) {
    %c0_i32 = arith.constant 0 : i32
    %c0_i32_0 = arith.constant 0 : i32
    return %arg0, %c0_i32 : i32, i32
  }
  func.func @transform_5(%arg0: i32) -> (i32, i32) {
    %c0_i32 = arith.constant 0 : i32
    %c0_i32_0 = arith.constant 0 : i32
    return %arg0, %c0_i32 : i32, i32
  }
  func.func @transform_6(%arg0: i32) -> (i32, i32) {
    %c0_i32 = arith.constant 0 : i32
    %c0_i32_0 = arith.constant 0 : i32
    %c0_i32_1 = arith.constant 0 : i32
    return %c0_i32, %c0_i32_0 : i32, i32
  }
  func.func @transform_7(%arg0: i32) -> (i32, i32) {
    %c0_i32 = arith.constant 0 : i32
    %c0_i32_0 = arith.constant 0 : i32
    %c0_i32_1 = arith.constant 0 : i32
    return %c0_i32, %c0_i32_0 : i32, i32
  }
  func.func @transform_8(%arg0: i32) -> (i32, i32) {
    %c0_i32 = arith.constant 0 : i32
    %c0_i32_0 = arith.constant 0 : i32
    %c0_i32_1 = arith.constant 0 : i32
    return %c0_i32, %c0_i32_0 : i32, i32
  }
  func.func @transform_9(%arg0: i32) -> (i32, i32) {
    %c0_i32 = arith.constant 0 : i32
    %c0_i32_0 = arith.constant 0 : i32
    %c0_i32_1 = arith.constant 0 : i32
    return %c0_i32, %c0_i32_0 : i32, i32
  }
  func.func @transform_10(%arg0: i32) -> (i32, i32) {
    %c0_i32 = arith.constant 0 : i32
    %c0_i32_0 = arith.constant 0 : i32
    return %arg0, %c0_i32 : i32, i32
  }
}

</mosaic_0001>

<sc_bundles>
// kernel: kernel.11.cloned.1.call-start
scs
__scs_entry_jumppad:
0x0: {  	(pc) =	sbr.rel $0x88, $3  }
0x1: {  	(tag) =	ssettag $0x0;
	lr =	simm.s32 $0x1  }
0x2: {  	[smem:$0x3F99] =	sst lr;
	_ =	strace $0xD0000000  }
0x3: {  	_ = 	snop  }
0x4: {  	_ = 	snop  }
0x5: {  	_ = 	snop  }
0x6: {  	_ = 	snop  }
0x7: {  	_ = 	snop  }
__scs_overlays_trampoline_lowered:
0x8: {  	[smem:$0x3FA8] =	sst s0  }
0x9: {  	[smem:$0x3FA9] =	sst s1  }
0xa: {  	[smem:$0x3FAA] =	sst s2  }
0xb: {  	[smem:$0x3FAB] =	sst s3  }
0xc: {  	[smem:$0x3FAC] =	sst s4  }
0xd: {  	[smem:$0x3FAD] =	sst s5  }
0xe: {  	[smem:$0x3FAE] =	sst s6  }
0xf: {  	[smem:$0x3FAF] =	sst s7  }
0x10: {  	[smem:$0x3FB0] =	sst s8  }
0x11: {  	[smem:$0x3FB1] =	sst s9;
	s0 =	simm.s32 @!p0 $0x0  }
0x12: {  	s1 =	sld [smem:$0x3F97];
	s0 =	simm.s32 @p0 $0x1  }
0x13: {  	[smem:$0x3FB2] =	sst s0;
	s0 =	simm.s32 @!p1 $0x0  }
0x14: {  	s2 =	sld [smem:$0x3F96];
	s0 =	simm.s32 @p1 $0x1  }
0x15: {  	[smem:$0x3FB3] =	sst s0;
	s0 =	simm.s32 @!p2 $0x0  }
0x16: {  	s3 =	sld [smem:$0x3FDB];
	s0 =	simm.s32 @p2 $0x1  }
0x17: {  	s4 =	simm.s32 $0x1BF5;
	[smem:$0x3FB5] =	sst s0  }
0x18: {  	s0 =	sld [smem:$0x3F98];
	_ =	swait.ge [sflag:s4], $0x0  }
0x19: {  	s7 =	sld [smem:$0x3F99]  }
0x1a: {  	s8 =	sadd.s32 $0xFFFFE003, lr  }
0x1b: {  	s9 =	sadd.s32 $0xFFFFFEF7, lr;
	s5 =	simm.s32 $0xFFFFFFFF;
	p2 =	slt.u32 s8, $0xFFFFF086  }
0x1c: {  	p1 =	slt.u32 s9, $0xF7A;
	s5 =	simm.s32 @!p2 $0x0  }
0x1d: {  	s5 =	simm.s32 @p1 $0x1;
	p0 =	seq.s32 s7, s2  }
0x1e: {  	s7 =	smul.u32 @!p0 $0xF7A, s2;
	p2 =	seq.s32 @!p0 s5, $0x0  }
0x1f: {  	s9 =	smul.u32 $0xF7A, s1;
	s8 =	simm.s32 @!p0 $0x1BF5;
	p2 =	por !p2, p0  }
0x20: {  	[sflag:s8] =	ssyncset.s32 @!p0 $0xFFFFF086;
	s6 =	sadd.s32 @!p0 s3, s7;
	s7 =	simm.s32 @!p0 $0x108  }
0x21: {  	s3 =	sadd.s32 s3, s9;
	s6 =	sadd.s32 @!p0 $0x88, s6;
	s7 =	simm.s32 @p2 $0x1082  }
0x22: {  	[simem:s7], [sflag:s8] =	dma.local @!p0 [hbm:s6], $0xF7A  }
0x23: {  	s9 =	sor.u32 $0xD0000000, s2;
	s6 =	simm.s32 $0x108;
	_ =	swait.ge @!p0 [sflag:s8], $0x0  }
0x24: {  	s3 =	sadd.s32 $0x88, s3;
	s6 =	simm.s32 @!p1 $0x1082;
	[sflag:s4] =	ssyncset.s32 $0xFFFFF086  }
0x25: {  	[simem:s6], [sflag:s4] =	dma.local [hbm:s3], $0xF7A  }
0x26: {  	[smem:$0x3F99] =	sst s1;
	(tag) =	ssettag s2;
	_ =	strace s9  }
0x27: {  	s1 =	sld [smem:$0x3FA9]  }
0x28: {  	s2 =	sld [smem:$0x3FAA]  }
0x29: {  	s4 =	sld [smem:$0x3FAC]  }
0x2a: {  	p0 =	seq.s32 s5, $0x0;
	s5 =	sld [smem:$0x3FAD]  }
0x2b: {  	s6 =	sld [smem:$0x3FAE]  }
0x2c: {  	s7 =	sld [smem:$0x3FAF]  }
0x2d: {  	s3 =	simm.s32 $0x108;
	s8 =	sld [smem:$0x3FB0]  }
0x2e: {  	s3 =	simm.s32 @!p0 $0x1082;
	s9 =	sld [smem:$0x3FB1]  }
0x2f: {  	lr =	sadd.s32 s0, s3;
	s0 =	sld [smem:$0x3FA8]  }
0x30: {  	s3 =	sld [smem:$0x3FAB]  }
0x31: {  	[smem:$0x3FB4] =	sst s10  }
0x32: {  	s10 =	sld [smem:$0x3FB2];
	_ =	sdelay $0x3  }
0x33: {  	p0 =	seq.s32 s10, $0x1;
	s10 =	sld [smem:$0x3FB4];
	_ =	sdelay $0x3  }
0x34: {  	[smem:$0x3FB4] =	sst s10  }
0x35: {  	s10 =	sld [smem:$0x3FB3];
	_ =	sdelay $0x3  }
0x36: {  	p1 =	seq.s32 s10, $0x1;
	s10 =	sld [smem:$0x3FB4];
	_ =	sdelay $0x3  }
0x37: {  	[smem:$0x3FB4] =	sst s10  }
0x38: {  	s10 =	sld [smem:$0x3FB5]  }
0x39: {  	_ = 	snop;
	(pc) =	sbr.ind lr, $3  }
0x3a: {  	_ = 	snop  }
0x3b: {  	_ = 	snop  }
0x3c: {  	p2 =	seq.s32 s10, $0x1;
	s10 =	sld [smem:$0x3FB4]  }
0x3d: {  	_ =	shalt  }
0x3e: {  	_ =	shalt  }
0x3f: {  	_ =	shalt  }
0x40: {  	_ =	shalt  }
0x41: {  	_ =	shalt  }
0x42: {  	_ =	shalt  }
0x43: {  	_ =	shalt  }
0x44: {  	_ =	shalt  }
0x45: {  	_ =	shalt  }
0x46: {  	_ =	shalt  }
0x47: {  	_ =	shalt  }
0x48: {  	_ =	shalt  }
0x49: {  	_ =	shalt  }
0x4a: {  	_ =	shalt  }
0x4b: {  	_ =	shalt  }
0x4c: {  	_ =	shalt  }
0x4d: {  	_ =	shalt  }
0x4e: {  	_ =	shalt  }
0x4f: {  	_ =	shalt  }
0x50: {  	_ =	shalt  }
0x51: {  	_ =	shalt  }
0x52: {  	_ =	shalt  }
0x53: {  	_ =	shalt  }
0x54: {  	_ =	shalt  }
0x55: {  	_ =	shalt  }
0x56: {  	_ =	shalt  }
0x57: {  	_ =	shalt  }
0x58: {  	_ =	shalt  }
0x59: {  	_ =	shalt  }
0x5a: {  	_ =	shalt  }
0x5b: {  	_ =	shalt  }
0x5c: {  	_ =	shalt  }
0x5d: {  	_ =	shalt  }
0x5e: {  	_ =	shalt  }
0x5f: {  	_ =	shalt  }
0x60: {  	_ =	shalt  }
0x61: {  	_ =	shalt  }
0x62: {  	_ =	shalt  }
0x63: {  	_ =	shalt  }
0x64: {  	_ =	shalt  }
0x65: {  	_ =	shalt  }
0x66: {  	_ =	shalt  }
0x67: {  	_ =	shalt  }
0x68: {  	_ =	shalt  }
0x69: {  	_ =	shalt  }
0x6a: {  	_ =	shalt  }
0x6b: {  	_ =	shalt  }
0x6c: {  	_ =	shalt  }
0x6d: {  	_ =	shalt  }
0x6e: {  	_ =	shalt  }
0x6f: {  	_ =	shalt  }
0x70: {  	_ =	shalt  }
0x71: {  	_ =	shalt  }
0x72: {  	_ =	shalt  }
0x73: {  	_ =	shalt  }
0x74: {  	_ =	shalt  }
0x75: {  	_ =	shalt  }
0x76: {  	_ =	shalt  }
0x77: {  	_ =	shalt  }
0x78: {  	_ =	shalt  }
0x79: {  	_ =	shalt  }
0x7a: {  	_ =	shalt  }
0x7b: {  	_ =	shalt  }
0x7c: {  	_ =	shalt  }
0x7d: {  	_ =	shalt  }
0x7e: {  	_ =	shalt  }
0x7f: {  	_ =	shalt  }
0x80: {  	_ =	shalt  }
0x81: {  	_ =	shalt  }
0x82: {  	_ =	shalt  }
0x83: {  	_ =	shalt  }
0x84: {  	_ =	shalt  }
0x85: {  	_ =	shalt  }
0x86: {  	_ =	shalt  }
0x87: {  	_ =	shalt  }
.Lfunc_end0:
.L_simem_size_0:
called_computation.1_lowered:
.L_overlay_start_0:
0x88: {  	s2 =	sld [smem:$0x3FD9]  }
0x89: {  	s3 =	sld [smem:$0x3FFE];
	_ =	sdelay $0x1  }
0x8a: {  	s1 =	srdreg.scid  }
0x8b: {  	s0 =	sand.u32 $0x1, s1  }
0x8c: {  	s17 =	sshll.u32 s0, $0xA;
	s2 =	sadd.s32 s3, s2  }
0x8d: {  	s2 =	sadd.s32 s2, s17  }
0x8e: {  	[smem:$0x3FC0] =	sst s2  }
0x8f: {  	_ = 	snop  }
0x90: {  	s2 =	sld [smem:$0x3FD0];
	(tm) =	ssettm $0x1  }
0x91: {  	s18 =	sld [smem:$0x3FFB];
	_ =	sdelay $0x3  }
0x92: {  	_ =	strace s18  }
0x93: {  	s3 =	sld [smem:$0x3FFC];
	_ =	sdelay $0x3  }
0x94: {  	_ =	strace s3  }
0x95: {  	s3 =	sld [smem:$0x3FFD];
	_ =	sdelay $0x3  }
0x96: {  	_ =	strace s3  }
0x97: {  	_ =	strace $0x8FFFFFFF  }
0x98: {  	s19 =	sld [smem:$0x3FDB];
	_ =	sdelay $0x1  }
0x99: {  	s4 =	simm.s32 $_scs_section_size  }
0x9a: {  	s5 =	simm.s32 $_size__tile_overlayer_lowered;
	s6 =	simm.s32 $_tile_overlayer_lowered  }
0x9b: {  	s22 =	simm.s32 $0x1BFF;
	s21 =	sshll.u32 s6, $0x1;
	s3 =	sadd.s32 s4, s19  }
0x9c: {  	s7 =	simm.s32 $0x0;
	s20 =	sshll.u32 s5, $0x1;
	s5 =	sadd.s32 s21, s3  }
0x9d: {  	[timem:s7], [sflag:s22] =	dma.local [hbm:s5], s20  }
0x9e: {  	_ =	swait.ge [sflag:s22], s20  }
0x9f: {  	s4 =	ssub.s32 $0x0, s20;
	[sflag:s22] =	ssyncset.done $0x0  }
0xa0: {  	[sflag:s22] =	ssyncadd.s32 s4;
	_ =	sdelay $0x1  }
0xa1: {  	s23 =	simm.s32 $0x1B8B  }
0xa2: {  	_ =	swait.ge [sflag:s23], $0x1  }
0xa3: {  	[sflag:s23] =	ssyncset.done $0x0  }
0xa4: {  	s25 =	simm.s32 $0x1B8E;
	s24 =	sld [smem:$0x3FFE];
	[sflag:s23] =	ssyncadd.s32 $0xFFFFFFFF  }
0xa5: {  	s26 =	simm.s32 $execute0_lowered;
	[smem:$0x3FD2] =	sst s25  }
0xa6: {  	s5 =	sshll.u32 s26, $0x1;
	_ =	strace $0x80000049;
	[dreg:$0x1] =	wrdreg $0xFFFFFFFF  }
0xa7: {  	s28 =	simm.s32 $_size_execute0_lowered;
	s3 =	sadd.s32 s3, s5;
	[dreg:$0x0] =	wrdreg $0x0  }
0xa8: {  	s5 =	sshll.u32 s28, $0x1;
	[dreg:$0x2] =	wrdreg s3  }
0xa9: {  	[dreg:$0x3] =	wrdreg s5  }
0xaa: {  	[dreg:$0x4] =	wrdreg $0xC0  }
0xab: {  	_ =	task [dreg:s7], $0x5FFFF  }
0xac: {  	[dreg:$0x1] =	wrdreg $0xFFFFFFFF  }
0xad: {  	[dreg:$0x0] =	wrdreg $0x60  }
0xae: {  	[dreg:$0x2] =	wrdreg s24  }
0xaf: {  	[dreg:$0x3] =	wrdreg s2  }
0xb0: {  	[dreg:$0x4] =	wrdreg $0x90000  }
0xb1: {  	[dreg:$0x5] =	wrdreg $0x9  }
0xb2: {  	_ =	task.clear_ibuf [dreg:s7], $0x6FFFF;
	_ =	strace $0x90000049  }
0xb3: {  	s29 =	simm.s32 $0x9;
	_ =	strace $0x8000004B  }
0xb4: {  	_ =	swait.ge [sflag:s29], $0x1  }
0xb5: {  	[sflag:s29] =	ssyncadd.s32 $0xFFFFFFFF  }
0xb6: {  	_ =	strace $0x9000004B  }
0xb7: {  	_ =	sfence  }
0xb8: {  	s30 =	sld [smem:$0x0];
	_ =	sdelay $0x2  }
0xb9: {  	s31 =	sshll.u32 s1, $0xD;
	s1 =	sshrl.u32 s1, $0x2  }
0xba: {  	s3 =	sand.u32 $0x4000, s31;
	s1 =	sadd.s32 s1, s30  }
0xbb: {  	s0 =	sor.u32 s3, s0;
	s1 =	sshll.u32 s1, $0x11  }
0xbc: {  	s0 =	sor.u32 s1, s0  }
0xbd: {  	s0 =	sadd.s32 $0x8F2B, s0  }
0xbe: {  	[sflag:s0] =	ssyncadd.remote.s32 $0x1  }
0xbf: {  	_ =	sfence.sel $0xFFFF  }
0xc0: {  	[dreg:$0x0] =	wrdreg $0xFFFFFFFF;
	(pc) =	sbr.abs _section_cstart, $3  }
0xc1: {  	[dreg:$0x1] =	wrdreg $0xFFFFFFFF  }
0xc2: {  	_ =	task.clear_ibuf [dreg:s7], $0x2FFFF;
	_ =	strace $0x9FFFFFFF  }
0xc3: {  	(tm) =	ssettm $0x7FFFFFFF  }
tec
execute0_lowered:
.L_overlay_start_1:
0x0: {  	(tag) =	ssettag $0x1  }
0x1: {  	s5 =	rddreg [dreg:$0x0]  }
0x2: {  	s0 =	srdreg.scid;
	s7 =	rddreg [dreg:$0x1]  }
0x3: {  	s2 =	rddreg [dreg:$0x2];
	s3 =	simm.s32 $0x0;
	s15 =	simm.s32 $0x5000  }
0x4: {  	s16 =	simm.s32 $0x1;
	s6 =	sand.u32 $0x1, s0;
	s0 =	stileid.u32  }
0x5: {  	s17 =	simm.s32 $0x0;
	[smem:$0x7FF] =	sst s3;
	s9 =	smul.u32 $0x13C00, s0  }
0x6: {  	s1 =	sshll.u32 s6, $0x4;
	s10 =	smul.u32 $0x13C000, s6;
	s6 =	ssub.s32 $0x2, s6  }
0x7: {  	s30 =	smul.u32 $0x4F000, s0;
	s31 =	sshll.u32 s0, $0x6;
	s4 =	sor.u32 s0, s1  }
0x8: {  	s1 =	rddreg [dreg:$0x3];
	_ =	strace $0x8000004A;
	s13 =	sshrl.u32 s6, $0x1  }
0x9: {  	s8 =	smul.u32 $0x500, s4;
	s4 =	sadd.s32 $0x2AA00, s5;
	s12 =	sshrl.u32 s9, $0x3  }
0xa: {  	s9 =	sadd.s32 s9, s10;
	s13 =	ssub.s32 s6, s13;
	s10 =	sshrl.u32 s30, $0x2  }
0xb: {  	s12 =	sadd.s32 s12, s5;
	s9 =	sshrl.u32 s9, $0x3;
	s14 =	sadd.s32 s10, s2  }
0xc: {  	s10 =	simm.s32 $0x2;
	s11 =	sadd.s32 s8, s5;
	s9 =	sadd.s32 s9, s5  }
0xd: {  	s6 =	sadd.s32 s7, s8;
	s7 =	sadd.s32 $0x3200, s12;
	s12 =	sor.u32 $0x1C02, s31  }
0xe: {  	s5 =	sadd.s32 $0x7A200, s11;
	s8 =	sadd.s32 $0x84200, s9;
	s9 =	smax.u32 s13, $0x1  }
0xf: {  	s11 =	simm.s32 $0x2800;
	s13 =	sshrl.u32 s14, $0x3;
	s14 =	simm.s32 $0x80  }
.LBB2_1:
0x10: {  	[tilespmem:s3], [sflag:$0x2] =	stream.linear.gather [hbm4b:s5+s3], $0x2780, $0x38;
	[tilespmem:$0x1CC00] =	vst v63  }
0x11: {  	_ =	swait.ge [sflag:s10], $0x2780  }
0x12: {  	[sflag:s10] =	ssyncset.done $0x0  }
0x13: {  	[sflag:s10] =	ssyncadd.s32 $0xFFFFD880  }
0x14: {  	[tilespmem:s11], [sflag:$0x2] =	stream.linear.gather [hbm4b:s6+s3], $0x2780, $0x38;
	[tilespmem:$0x1CC00] =	vst v63  }
0x15: {  	_ =	swait.ge [sflag:s10], $0x2780  }
0x16: {  	[sflag:s10] =	ssyncset.done $0x0  }
0x17: {  	[sflag:s10] =	ssyncadd.s32 $0xFFFFD880  }
0x18: {  	[spmem:s13], [sflag:s12] =	dma.local [hbm:s7], $0x2780  }
0x19: {  	_ =	swait.ge [sflag:s10], $0x2780  }
0x1a: {  	[sflag:s10] =	ssyncset.done $0x0  }
0x1b: {  	[sflag:s10] =	ssyncadd.s32 $0xFFFFD880  }
0x1c: {  	s18 =	simm.s32 $0x0;
	[bflag:$0x0] =	sbarrier.arrive $0xFFFF  }
0x1d: {  	[tilespmem:s15], [sflag:$0x1] =	stream.indirect.gather [hbm4b:s4+s14], $0x80, s18, s14, $0xb8;
	[tilespmem:$0x1CC00] =	vst v63  }
0x1e: {  	_ =	swait.ge [sflag:s16], $0x4000  }
0x1f: {  	[sflag:s16] =	ssyncset.done $0x0  }
0x20: {  	s31 =	simm.s32 $0x2800;
	[sflag:s16] =	ssyncadd.s32 $0xFFFFC000  }
0x21: {  	[spmem:s2] =	stream.indirect.scatter.add.f32 [tilespmem:s15], [sflag:$0x2], $0x80, s31, s14, $0xb8;
	[tilespmem:$0x1CC00] =	vst v63  }
0x22: {  	_ =	swait.ge [sflag:s10], $0x4000  }
0x23: {  	s19 =	simm.s32 $0x400;
	s18 =	simm.s32 $0x200;
	[sflag:s10] =	ssyncset.done $0x0  }
.LBB2_2:
0x24: {  	s20 =	sshra.s32 s18, $0x2  }
0x25: {  	[sflag:s10] =	ssyncadd.s32 $0xFFFFC000;
	s18 =	smov.u32 s19;
	s21 =	sadd.s32 $0x200, s19  }
0x26: {  	[tilespmem:s15], [sflag:$0x1] =	stream.indirect.gather [hbm4b:s4+s14], $0x80, s20, s14, $0xb8;
	[tilespmem:$0x1CC00] =	vst v63  }
0x27: {  	p0 =	sne.s32 s19, $0x9C00;
	_ =	swait.ge [sflag:s16], $0x4000  }
.Ltmp0:
0x28: {  	[sflag:s16] =	ssyncset.done $0x0;
	(pc) =	sbr.rel @p0 .LBB2_2-.Ltmp0, $4  }
0x29: {  	s19 =	sadd.s32 $0x2800, s20;
	[sflag:s16] =	ssyncadd.s32 $0xFFFFC000  }
0x2a: {  	[spmem:s2] =	stream.indirect.scatter.add.f32 [tilespmem:s15], [sflag:$0x2], $0x80, s19, s14, $0xb8;
	[tilespmem:$0x1CC00] =	vst v63  }
0x2b: {  	_ =	swait.ge [sflag:s10], $0x4000  }
0x2c: {  	s19 =	smov.u32 s21;
	[sflag:s10] =	ssyncset.done $0x0  }
0x2d: {  	s18 =	sshra.s32 s18, $0x2;
	[sflag:s10] =	ssyncadd.s32 $0xFFFFC000  }
0x2e: {  	[tilespmem:s15], [sflag:$0x1] =	stream.indirect.gather [hbm4b:s4+s14], $0x80, s18, s14, $0xb8;
	[tilespmem:$0x1CC00] =	vst v63  }
0x2f: {  	_ =	swait.ge [sflag:s16], $0x4000  }
0x30: {  	[sflag:s16] =	ssyncset.done $0x0  }
0x31: {  	s18 =	sadd.s32 $0x2800, s18;
	[sflag:s16] =	ssyncadd.s32 $0xFFFFC000  }
0x32: {  	[spmem:s2] =	stream.indirect.scatter.add.f32 [tilespmem:s15], [sflag:$0x2], $0x80, s18, s14, $0xb8;
	[tilespmem:$0x1CC00] =	vst v63  }
0x33: {  	_ =	swait.ge [sflag:s10], $0x4000  }
0x34: {  	s17 =	sadd.s32 $0x1, s17;
	[sflag:s10] =	ssyncset.done $0x0  }
0x35: {  	p0 =	sne.s32 s17, s9;
	[sflag:s10] =	ssyncadd.s32 $0xFFFFC000  }
.Ltmp1:
0x36: {  	[bflag:$0x0] =	sbarrier.arrive $0xFFFF;
	(pc) =	sbr.rel @p0 .LBB2_1-.Ltmp1, $4  }
0x37: {  	[hbm:s8], [sflag:s12] =	dma.local [spmem:s13], $0x2780  }
0x38: {  	_ =	swait.ge [sflag:s10], $0x2780  }
0x39: {  	[sflag:s10] =	ssyncset.done $0x0  }
0x3a: {  	[sflag:s10] =	ssyncadd.s32 $0xFFFFD880  }
0x3b: {  	_ =	sfence.sel $0x180000  }
0x3c: {  	[bflag:$0x0] =	sbarrier.arrive $0xFFFF  }
0x3d: {  	p0 =	sne.s32 s0, $0x0;
	_ =	strace $0x9000004A  }
0x3e: {  	s0 =	sadd.s32 @!p0 $0x100000, s1;
	[bflag:$0x2] =	sbarrier.arrive $0xFFFF  }
0x3f: {  	[sflag:s0] =	ssyncadd.tile.s32 @!p0 $0x1;
	_ =	shalt  }
.Lfunc_end2:
_tile_overlayer_lowered:
.L_overlay_start_2:
0x40: {  	(tag) =	ssettag $0x2  }
0x41: {  	s0 =	rddreg [dreg:$0x0];
	s2 =	stileid.u32  }
0x42: {  	s1 =	rddreg [dreg:$0x1];
	p0 =	sne.s32 s2, $0x0  }
0x43: {  	s3 =	rddreg [dreg:$0x2];
	[bflag:$0x3] =	sbarrier.arrive $0xFFFF;
	s2 =	simm.s32 @!p0 $0x1C02  }
0x44: {  	[timem:s3], [sflag:s2] =	dma.local @!p0 [hbm:s0], s1  }
0x45: {  	s0 =	simm.s32 @!p0 $0x2  }
0x46: {  	_ =	swait.ge @!p0 [sflag:s0], s1  }
0x47: {  	s1 =	ssub.s32 @!p0 $0x0, s1;
	[sflag:s0] =	ssyncset.done @!p0 $0x0  }
0x48: {  	[sflag:s0] =	ssyncadd.s32 @!p0 s1  }
0x49: {  	[bflag:$0x3] =	sbarrier.arrive $0xFFFF  }
0x4a: {  	_ =	shalt  }

// kernel: kernel.14.cloned.1.call-start
scs
__scs_entry_jumppad:
0x0: {  	(pc) =	sbr.rel $0x88, $3  }
0x1: {  	(tag) =	ssettag $0x0;
	lr =	simm.s32 $0x1  }
0x2: {  	[smem:$0x3F99] =	sst lr;
	_ =	strace $0xD0000000  }
0x3: {  	_ = 	snop  }
0x4: {  	_ = 	snop  }
0x5: {  	_ = 	snop  }
0x6: {  	_ = 	snop  }
0x7: {  	_ = 	snop  }
__scs_overlays_trampoline_lowered:
0x8: {  	[smem:$0x3FA8] =	sst s0  }
0x9: {  	[smem:$0x3FA9] =	sst s1  }
0xa: {  	[smem:$0x3FAA] =	sst s2  }
0xb: {  	[smem:$0x3FAB] =	sst s3  }
0xc: {  	[smem:$0x3FAC] =	sst s4  }
0xd: {  	[smem:$0x3FAD] =	sst s5  }
0xe: {  	[smem:$0x3FAE] =	sst s6  }
0xf: {  	[smem:$0x3FAF] =	sst s7  }
0x10: {  	[smem:$0x3FB0] =	sst s8  }
0x11: {  	[smem:$0x3FB1] =	sst s9;
	s0 =	simm.s32 @!p0 $0x0  }
0x12: {  	s1 =	sld [smem:$0x3F97];
	s0 =	simm.s32 @p0 $0x1  }
0x13: {  	[smem:$0x3FB2] =	sst s0;
	s0 =	simm.s32 @!p1 $0x0  }
0x14: {  	s2 =	sld [smem:$0x3F96];
	s0 =	simm.s32 @p1 $0x1  }
0x15: {  	[smem:$0x3FB3] =	sst s0;
	s0 =	simm.s32 @!p2 $0x0  }
0x16: {  	s3 =	sld [smem:$0x3FDB];
	s0 =	simm.s32 @p2 $0x1  }
0x17: {  	s4 =	simm.s32 $0x1BF5;
	[smem:$0x3FB5] =	sst s0  }
0x18: {  	s0 =	sld [smem:$0x3F98];
	_ =	swait.ge [sflag:s4], $0x0  }
0x19: {  	s7 =	sld [smem:$0x3F99]  }
0x1a: {  	s8 =	sadd.s32 $0xFFFFE003, lr  }
0x1b: {  	s9 =	sadd.s32 $0xFFFFFEF7, lr;
	s5 =	simm.s32 $0xFFFFFFFF;
	p2 =	slt.u32 s8, $0xFFFFF086  }
0x1c: {  	p1 =	slt.u32 s9, $0xF7A;
	s5 =	simm.s32 @!p2 $0x0  }
0x1d: {  	s5 =	simm.s32 @p1 $0x1;
	p0 =	seq.s32 s7, s2  }
0x1e: {  	s7 =	smul.u32 @!p0 $0xF7A, s2;
	p2 =	seq.s32 @!p0 s5, $0x0  }
0x1f: {  	s9 =	smul.u32 $0xF7A, s1;
	s8 =	simm.s32 @!p0 $0x1BF5;
	p2 =	por !p2, p0  }
0x20: {  	[sflag:s8] =	ssyncset.s32 @!p0 $0xFFFFF086;
	s6 =	sadd.s32 @!p0 s3, s7;
	s7 =	simm.s32 @!p0 $0x108  }
0x21: {  	s3 =	sadd.s32 s3, s9;
	s6 =	sadd.s32 @!p0 $0x88, s6;
	s7 =	simm.s32 @p2 $0x1082  }
0x22: {  	[simem:s7], [sflag:s8] =	dma.local @!p0 [hbm:s6], $0xF7A  }
0x23: {  	s9 =	sor.u32 $0xD0000000, s2;
	s6 =	simm.s32 $0x108;
	_ =	swait.ge @!p0 [sflag:s8], $0x0  }
0x24: {  	s3 =	sadd.s32 $0x88, s3;
	s6 =	simm.s32 @!p1 $0x1082;
	[sflag:s4] =	ssyncset.s32 $0xFFFFF086  }
0x25: {  	[simem:s6], [sflag:s4] =	dma.local [hbm:s3], $0xF7A  }
0x26: {  	[smem:$0x3F99] =	sst s1;
	(tag) =	ssettag s2;
	_ =	strace s9  }
0x27: {  	s1 =	sld [smem:$0x3FA9]  }
0x28: {  	s2 =	sld [smem:$0x3FAA]  }
0x29: {  	s4 =	sld [smem:$0x3FAC]  }
0x2a: {  	p0 =	seq.s32 s5, $0x0;
	s5 =	sld [smem:$0x3FAD]  }
0x2b: {  	s6 =	sld [smem:$0x3FAE]  }
0x2c: {  	s7 =	sld [smem:$0x3FAF]  }
0x2d: {  	s3 =	simm.s32 $0x108;
	s8 =	sld [smem:$0x3FB0]  }
0x2e: {  	s3 =	simm.s32 @!p0 $0x1082;
	s9 =	sld [smem:$0x3FB1]  }
0x2f: {  	lr =	sadd.s32 s0, s3;
	s0 =	sld [smem:$0x3FA8]  }
0x30: {  	s3 =	sld [smem:$0x3FAB]  }
0x31: {  	[smem:$0x3FB4] =	sst s10  }
0x32: {  	s10 =	sld [smem:$0x3FB2];
	_ =	sdelay $0x3  }
0x33: {  	p0 =	seq.s32 s10, $0x1;
	s10 =	sld [smem:$0x3FB4];
	_ =	sdelay $0x3  }
0x34: {  	[smem:$0x3FB4] =	sst s10  }
0x35: {  	s10 =	sld [smem:$0x3FB3];
	_ =	sdelay $0x3  }
0x36: {  	p1 =	seq.s32 s10, $0x1;
	s10 =	sld [smem:$0x3FB4];
	_ =	sdelay $0x3  }
0x37: {  	[smem:$0x3FB4] =	sst s10  }
0x38: {  	s10 =	sld [smem:$0x3FB5]  }
0x39: {  	_ = 	snop;
	(pc) =	sbr.ind lr, $3  }
0x3a: {  	_ = 	snop  }
0x3b: {  	_ = 	snop  }
0x3c: {  	p2 =	seq.s32 s10, $0x1;
	s10 =	sld [smem:$0x3FB4]  }
0x3d: {  	_ =	shalt  }
0x3e: {  	_ =	shalt  }
0x3f: {  	_ =	shalt  }
0x40: {  	_ =	shalt  }
0x41: {  	_ =	shalt  }
0x42: {  	_ =	shalt  }
0x43: {  	_ =	shalt  }
0x44: {  	_ =	shalt  }
0x45: {  	_ =	shalt  }
0x46: {  	_ =	shalt  }
0x47: {  	_ =	shalt  }
0x48: {  	_ =	shalt  }
0x49: {  	_ =	shalt  }
0x4a: {  	_ =	shalt  }
0x4b: {  	_ =	shalt  }
0x4c: {  	_ =	shalt  }
0x4d: {  	_ =	shalt  }
0x4e: {  	_ =	shalt  }
0x4f: {  	_ =	shalt  }
0x50: {  	_ =	shalt  }
0x51: {  	_ =	shalt  }
0x52: {  	_ =	shalt  }
0x53: {  	_ =	shalt  }
0x54: {  	_ =	shalt  }
0x55: {  	_ =	shalt  }
0x56: {  	_ =	shalt  }
0x57: {  	_ =	shalt  }
0x58: {  	_ =	shalt  }
0x59: {  	_ =	shalt  }
0x5a: {  	_ =	shalt  }
0x5b: {  	_ =	shalt  }
0x5c: {  	_ =	shalt  }
0x5d: {  	_ =	shalt  }
0x5e: {  	_ =	shalt  }
0x5f: {  	_ =	shalt  }
0x60: {  	_ =	shalt  }
0x61: {  	_ =	shalt  }
0x62: {  	_ =	shalt  }
0x63: {  	_ =	shalt  }
0x64: {  	_ =	shalt  }
0x65: {  	_ =	shalt  }
0x66: {  	_ =	shalt  }
0x67: {  	_ =	shalt  }
0x68: {  	_ =	shalt  }
0x69: {  	_ =	shalt  }
0x6a: {  	_ =	shalt  }
0x6b: {  	_ =	shalt  }
0x6c: {  	_ =	shalt  }
0x6d: {  	_ =	shalt  }
0x6e: {  	_ =	shalt  }
0x6f: {  	_ =	shalt  }
0x70: {  	_ =	shalt  }
0x71: {  	_ =	shalt  }
0x72: {  	_ =	shalt  }
0x73: {  	_ =	shalt  }
0x74: {  	_ =	shalt  }
0x75: {  	_ =	shalt  }
0x76: {  	_ =	shalt  }
0x77: {  	_ =	shalt  }
0x78: {  	_ =	shalt  }
0x79: {  	_ =	shalt  }
0x7a: {  	_ =	shalt  }
0x7b: {  	_ =	shalt  }
0x7c: {  	_ =	shalt  }
0x7d: {  	_ =	shalt  }
0x7e: {  	_ =	shalt  }
0x7f: {  	_ =	shalt  }
0x80: {  	_ =	shalt  }
0x81: {  	_ =	shalt  }
0x82: {  	_ =	shalt  }
0x83: {  	_ =	shalt  }
0x84: {  	_ =	shalt  }
0x85: {  	_ =	shalt  }
0x86: {  	_ =	shalt  }
0x87: {  	_ =	shalt  }
.Lfunc_end0:
.L_simem_size_0:
called_computation.2_lowered:
.L_overlay_start_0:
0x88: {  	s2 =	sld [smem:$0x3FD9]  }
0x89: {  	s3 =	sld [smem:$0x3FFE];
	_ =	sdelay $0x1  }
0x8a: {  	s1 =	srdreg.scid  }
0x8b: {  	s0 =	sand.u32 $0x1, s1  }
0x8c: {  	s17 =	sshll.u32 s0, $0xA;
	s2 =	sadd.s32 s3, s2  }
0x8d: {  	s2 =	sadd.s32 s2, s17  }
0x8e: {  	[smem:$0x3FC0] =	sst s2  }
0x8f: {  	_ = 	snop  }
0x90: {  	s2 =	sld [smem:$0x3FD0];
	(tm) =	ssettm $0x1  }
0x91: {  	s18 =	sld [smem:$0x3FFB];
	_ =	sdelay $0x3  }
0x92: {  	_ =	strace s18  }
0x93: {  	s3 =	sld [smem:$0x3FFC];
	_ =	sdelay $0x3  }
0x94: {  	_ =	strace s3  }
0x95: {  	s3 =	sld [smem:$0x3FFD];
	_ =	sdelay $0x3  }
0x96: {  	_ =	strace s3  }
0x97: {  	_ =	strace $0x8FFFFFFF  }
0x98: {  	s19 =	sld [smem:$0x3FDB];
	_ =	sdelay $0x1  }
0x99: {  	s4 =	simm.s32 $_scs_section_size  }
0x9a: {  	s5 =	simm.s32 $_size__tile_overlayer_lowered;
	s6 =	simm.s32 $_tile_overlayer_lowered  }
0x9b: {  	s22 =	simm.s32 $0x1BFF;
	s21 =	sshll.u32 s6, $0x1;
	s3 =	sadd.s32 s4, s19  }
0x9c: {  	s7 =	simm.s32 $0x0;
	s20 =	sshll.u32 s5, $0x1;
	s5 =	sadd.s32 s21, s3  }
0x9d: {  	[timem:s7], [sflag:s22] =	dma.local [hbm:s5], s20  }
0x9e: {  	_ =	swait.ge [sflag:s22], s20  }
0x9f: {  	s4 =	ssub.s32 $0x0, s20;
	[sflag:s22] =	ssyncset.done $0x0  }
0xa0: {  	[sflag:s22] =	ssyncadd.s32 s4;
	_ =	sdelay $0x1  }
0xa1: {  	s23 =	simm.s32 $0x1B8B  }
0xa2: {  	_ =	swait.ge [sflag:s23], $0x1  }
0xa3: {  	[sflag:s23] =	ssyncset.done $0x0  }
0xa4: {  	s25 =	simm.s32 $0x1B8E;
	s24 =	sld [smem:$0x3FFE];
	[sflag:s23] =	ssyncadd.s32 $0xFFFFFFFF  }
0xa5: {  	s26 =	simm.s32 $execute0_lowered;
	[smem:$0x3FD2] =	sst s25  }
0xa6: {  	s5 =	sshll.u32 s26, $0x1;
	_ =	strace $0x8000004C;
	[dreg:$0x1] =	wrdreg $0xFFFFFFFF  }
0xa7: {  	s28 =	simm.s32 $_size_execute0_lowered;
	s3 =	sadd.s32 s3, s5;
	[dreg:$0x0] =	wrdreg $0x0  }
0xa8: {  	s5 =	sshll.u32 s28, $0x1;
	[dreg:$0x2] =	wrdreg s3  }
0xa9: {  	[dreg:$0x3] =	wrdreg s5  }
0xaa: {  	[dreg:$0x4] =	wrdreg $0xC0  }
0xab: {  	_ =	task [dreg:s7], $0x5FFFF  }
0xac: {  	[dreg:$0x1] =	wrdreg $0xFFFFFFFF  }
0xad: {  	[dreg:$0x0] =	wrdreg $0x60  }
0xae: {  	[dreg:$0x2] =	wrdreg s24  }
0xaf: {  	[dreg:$0x3] =	wrdreg s2  }
0xb0: {  	[dreg:$0x4] =	wrdreg $0x90000  }
0xb1: {  	[dreg:$0x5] =	wrdreg $0x9  }
0xb2: {  	_ =	task.clear_ibuf [dreg:s7], $0x6FFFF;
	_ =	strace $0x9000004C  }
0xb3: {  	s29 =	simm.s32 $0x9;
	_ =	strace $0x8000004E  }
0xb4: {  	_ =	swait.ge [sflag:s29], $0x1  }
0xb5: {  	[sflag:s29] =	ssyncadd.s32 $0xFFFFFFFF  }
0xb6: {  	_ =	strace $0x9000004E  }
0xb7: {  	_ =	sfence  }
0xb8: {  	s30 =	sld [smem:$0x0];
	_ =	sdelay $0x2  }
0xb9: {  	s31 =	sshll.u32 s1, $0xD;
	s1 =	sshrl.u32 s1, $0x2  }
0xba: {  	s3 =	sand.u32 $0x4000, s31;
	s1 =	sadd.s32 s1, s30  }
0xbb: {  	s0 =	sor.u32 s3, s0;
	s1 =	sshll.u32 s1, $0x11  }
0xbc: {  	s0 =	sor.u32 s1, s0  }
0xbd: {  	s0 =	sadd.s32 $0x8F2B, s0  }
0xbe: {  	[sflag:s0] =	ssyncadd.remote.s32 $0x1  }
0xbf: {  	_ =	sfence.sel $0xFFFF  }
0xc0: {  	[dreg:$0x0] =	wrdreg $0xFFFFFFFF;
	(pc) =	sbr.abs _section_cstart, $3  }
0xc1: {  	[dreg:$0x1] =	wrdreg $0xFFFFFFFF  }
0xc2: {  	_ =	task.clear_ibuf [dreg:s7], $0x2FFFF;
	_ =	strace $0x9FFFFFFF  }
0xc3: {  	(tm) =	ssettm $0x7FFFFFFF  }
tec
execute0_lowered:
.L_overlay_start_1:
0x0: {  	(tag) =	ssettag $0x1  }
0x1: {  	s5 =	rddreg [dreg:$0x0]  }
0x2: {  	s0 =	srdreg.scid;
	s7 =	rddreg [dreg:$0x1]  }
0x3: {  	s2 =	rddreg [dreg:$0x2];
	s3 =	simm.s32 $0x0;
	s15 =	simm.s32 $0x5000  }
0x4: {  	s16 =	simm.s32 $0x1;
	s6 =	sand.u32 $0x1, s0;
	s0 =	stileid.u32  }
0x5: {  	s17 =	simm.s32 $0x0;
	[smem:$0x7FF] =	sst s3;
	s9 =	smul.u32 $0x13C00, s0  }
0x6: {  	s1 =	sshll.u32 s6, $0x4;
	s10 =	smul.u32 $0x13C000, s6;
	s6 =	ssub.s32 $0x2, s6  }
0x7: {  	s30 =	smul.u32 $0x4F000, s0;
	s31 =	sshll.u32 s0, $0x6;
	s4 =	sor.u32 s0, s1  }
0x8: {  	s1 =	rddreg [dreg:$0x3];
	_ =	strace $0x8000004D;
	s13 =	sshrl.u32 s6, $0x1  }
0x9: {  	s8 =	smul.u32 $0x500, s4;
	s4 =	sadd.s32 $0x2AA00, s5;
	s12 =	sshrl.u32 s9, $0x3  }
0xa: {  	s9 =	sadd.s32 s9, s10;
	s13 =	ssub.s32 s6, s13;
	s10 =	sshrl.u32 s30, $0x2  }
0xb: {  	s12 =	sadd.s32 s12, s5;
	s9 =	sshrl.u32 s9, $0x3;
	s14 =	sadd.s32 s10, s2  }
0xc: {  	s10 =	simm.s32 $0x2;
	s11 =	sadd.s32 s8, s5;
	s9 =	sadd.s32 s9, s5  }
0xd: {  	s6 =	sadd.s32 s7, s8;
	s7 =	sadd.s32 $0x3200, s12;
	s12 =	sor.u32 $0x1C02, s31  }
0xe: {  	s5 =	sadd.s32 $0x7A200, s11;
	s8 =	sadd.s32 $0x84200, s9;
	s9 =	smax.u32 s13, $0x1  }
0xf: {  	s11 =	simm.s32 $0x2800;
	s13 =	sshrl.u32 s14, $0x3;
	s14 =	simm.s32 $0x80  }
.LBB2_1:
0x10: {  	[tilespmem:s3], [sflag:$0x2] =	stream.linear.gather [hbm4b:s5+s3], $0x2780, $0x38;
	[tilespmem:$0x1CC00] =	vst v63  }
0x11: {  	_ =	swait.ge [sflag:s10], $0x2780  }
0x12: {  	[sflag:s10] =	ssyncset.done $0x0  }
0x13: {  	[sflag:s10] =	ssyncadd.s32 $0xFFFFD880  }
0x14: {  	[tilespmem:s11], [sflag:$0x2] =	stream.linear.gather [hbm4b:s6+s3], $0x2780, $0x38;
	[tilespmem:$0x1CC00] =	vst v63  }
0x15: {  	_ =	swait.ge [sflag:s10], $0x2780  }
0x16: {  	[sflag:s10] =	ssyncset.done $0x0  }
0x17: {  	[sflag:s10] =	ssyncadd.s32 $0xFFFFD880  }
0x18: {  	[spmem:s13], [sflag:s12] =	dma.local [hbm:s7], $0x2780  }
0x19: {  	_ =	swait.ge [sflag:s10], $0x2780  }
0x1a: {  	[sflag:s10] =	ssyncset.done $0x0  }
0x1b: {  	[sflag:s10] =	ssyncadd.s32 $0xFFFFD880  }
0x1c: {  	s18 =	simm.s32 $0x0;
	[bflag:$0x0] =	sbarrier.arrive $0xFFFF  }
0x1d: {  	[tilespmem:s15], [sflag:$0x1] =	stream.indirect.gather [hbm4b:s4+s14], $0x80, s18, s14, $0xb8;
	[tilespmem:$0x1CC00] =	vst v63  }
0x1e: {  	_ =	swait.ge [sflag:s16], $0x4000  }
0x1f: {  	[sflag:s16] =	ssyncset.done $0x0  }
0x20: {  	s31 =	simm.s32 $0x2800;
	[sflag:s16] =	ssyncadd.s32 $0xFFFFC000  }
0x21: {  	[spmem:s2] =	stream.indirect.scatter.add.f32 [tilespmem:s15], [sflag:$0x2], $0x80, s31, s14, $0xb8;
	[tilespmem:$0x1CC00] =	vst v63  }
0x22: {  	_ =	swait.ge [sflag:s10], $0x4000  }
0x23: {  	s19 =	simm.s32 $0x400;
	s18 =	simm.s32 $0x200;
	[sflag:s10] =	ssyncset.done $0x0  }
.LBB2_2:
0x24: {  	s20 =	sshra.s32 s18, $0x2  }
0x25: {  	[sflag:s10] =	ssyncadd.s32 $0xFFFFC000;
	s18 =	smov.u32 s19;
	s21 =	sadd.s32 $0x200, s19  }
0x26: {  	[tilespmem:s15], [sflag:$0x1] =	stream.indirect.gather [hbm4b:s4+s14], $0x80, s20, s14, $0xb8;
	[tilespmem:$0x1CC00] =	vst v63  }
0x27: {  	p0 =	sne.s32 s19, $0x9C00;
	_ =	swait.ge [sflag:s16], $0x4000  }
.Ltmp0:
0x28: {  	[sflag:s16] =	ssyncset.done $0x0;
	(pc) =	sbr.rel @p0 .LBB2_2-.Ltmp0, $4  }
0x29: {  	s19 =	sadd.s32 $0x2800, s20;
	[sflag:s16] =	ssyncadd.s32 $0xFFFFC000  }
0x2a: {  	[spmem:s2] =	stream.indirect.scatter.add.f32 [tilespmem:s15], [sflag:$0x2], $0x80, s19, s14, $0xb8;
	[tilespmem:$0x1CC00] =	vst v63  }
0x2b: {  	_ =	swait.ge [sflag:s10], $0x4000  }
0x2c: {  	s19 =	smov.u32 s21;
	[sflag:s10] =	ssyncset.done $0x0  }
0x2d: {  	s18 =	sshra.s32 s18, $0x2;
	[sflag:s10] =	ssyncadd.s32 $0xFFFFC000  }
0x2e: {  	[tilespmem:s15], [sflag:$0x1] =	stream.indirect.gather [hbm4b:s4+s14], $0x80, s18, s14, $0xb8;
	[tilespmem:$0x1CC00] =	vst v63  }
0x2f: {  	_ =	swait.ge [sflag:s16], $0x4000  }
0x30: {  	[sflag:s16] =	ssyncset.done $0x0  }
0x31: {  	s18 =	sadd.s32 $0x2800, s18;
	[sflag:s16] =	ssyncadd.s32 $0xFFFFC000  }
0x32: {  	[spmem:s2] =	stream.indirect.scatter.add.f32 [tilespmem:s15], [sflag:$0x2], $0x80, s18, s14, $0xb8;
	[tilespmem:$0x1CC00] =	vst v63  }
0x33: {  	_ =	swait.ge [sflag:s10], $0x4000  }
0x34: {  	s17 =	sadd.s32 $0x1, s17;
	[sflag:s10] =	ssyncset.done $0x0  }
0x35: {  	p0 =	sne.s32 s17, s9;
	[sflag:s10] =	ssyncadd.s32 $0xFFFFC000  }
.Ltmp1:
0x36: {  	[bflag:$0x0] =	sbarrier.arrive $0xFFFF;
	(pc) =	sbr.rel @p0 .LBB2_1-.Ltmp1, $4  }
0x37: {  	[hbm:s8], [sflag:s12] =	dma.local [spmem:s13], $0x2780  }
0x38: {  	_ =	swait.ge [sflag:s10], $0x2780  }
0x39: {  	[sflag:s10] =	ssyncset.done $0x0  }
0x3a: {  	[sflag:s10] =	ssyncadd.s32 $0xFFFFD880  }
0x3b: {  	_ =	sfence.sel $0x180000  }
0x3c: {  	[bflag:$0x0] =	sbarrier.arrive $0xFFFF  }
0x3d: {  	p0 =	sne.s32 s0, $0x0;
	_ =	strace $0x9000004D  }
0x3e: {  	s0 =	sadd.s32 @!p0 $0x100000, s1;
	[bflag:$0x2] =	sbarrier.arrive $0xFFFF  }
0x3f: {  	[sflag:s0] =	ssyncadd.tile.s32 @!p0 $0x1;
	_ =	shalt  }
.Lfunc_end2:
_tile_overlayer_lowered:
.L_overlay_start_2:
0x40: {  	(tag) =	ssettag $0x2  }
0x41: {  	s0 =	rddreg [dreg:$0x0];
	s2 =	stileid.u32  }
0x42: {  	s1 =	rddreg [dreg:$0x1];
	p0 =	sne.s32 s2, $0x0  }
0x43: {  	s3 =	rddreg [dreg:$0x2];
	[bflag:$0x3] =	sbarrier.arrive $0xFFFF;
	s2 =	simm.s32 @!p0 $0x1C02  }
0x44: {  	[timem:s3], [sflag:s2] =	dma.local @!p0 [hbm:s0], s1  }
0x45: {  	s0 =	simm.s32 @!p0 $0x2  }
0x46: {  	_ =	swait.ge @!p0 [sflag:s0], s1  }
0x47: {  	s1 =	ssub.s32 @!p0 $0x0, s1;
	[sflag:s0] =	ssyncset.done @!p0 $0x0  }
0x48: {  	[sflag:s0] =	ssyncadd.s32 @!p0 s1  }
0x49: {  	[bflag:$0x3] =	sbarrier.arrive $0xFFFF  }
0x4a: {  	_ =	shalt  }

// kernel: kernel.8.cloned.1.call-start
scs
__scs_entry_jumppad:
0x0: {  	(pc) =	sbr.rel $0x88, $3  }
0x1: {  	(tag) =	ssettag $0x0;
	lr =	simm.s32 $0x1  }
0x2: {  	[smem:$0x3F99] =	sst lr;
	_ =	strace $0xD0000000  }
0x3: {  	_ = 	snop  }
0x4: {  	_ = 	snop  }
0x5: {  	_ = 	snop  }
0x6: {  	_ = 	snop  }
0x7: {  	_ = 	snop  }
__scs_overlays_trampoline_lowered:
0x8: {  	[smem:$0x3FA8] =	sst s0  }
0x9: {  	[smem:$0x3FA9] =	sst s1  }
0xa: {  	[smem:$0x3FAA] =	sst s2  }
0xb: {  	[smem:$0x3FAB] =	sst s3  }
0xc: {  	[smem:$0x3FAC] =	sst s4  }
0xd: {  	[smem:$0x3FAD] =	sst s5  }
0xe: {  	[smem:$0x3FAE] =	sst s6  }
0xf: {  	[smem:$0x3FAF] =	sst s7  }
0x10: {  	[smem:$0x3FB0] =	sst s8  }
0x11: {  	[smem:$0x3FB1] =	sst s9;
	s0 =	simm.s32 @!p0 $0x0  }
0x12: {  	s1 =	sld [smem:$0x3F97];
	s0 =	simm.s32 @p0 $0x1  }
0x13: {  	[smem:$0x3FB2] =	sst s0;
	s0 =	simm.s32 @!p1 $0x0  }
0x14: {  	s2 =	sld [smem:$0x3F96];
	s0 =	simm.s32 @p1 $0x1  }
0x15: {  	[smem:$0x3FB3] =	sst s0;
	s0 =	simm.s32 @!p2 $0x0  }
0x16: {  	s3 =	sld [smem:$0x3FDB];
	s0 =	simm.s32 @p2 $0x1  }
0x17: {  	s4 =	simm.s32 $0x1BF5;
	[smem:$0x3FB5] =	sst s0  }
0x18: {  	s0 =	sld [smem:$0x3F98];
	_ =	swait.ge [sflag:s4], $0x0  }
0x19: {  	s7 =	sld [smem:$0x3F99]  }
0x1a: {  	s8 =	sadd.s32 $0xFFFFE003, lr  }
0x1b: {  	s9 =	sadd.s32 $0xFFFFFEF7, lr;
	s5 =	simm.s32 $0xFFFFFFFF;
	p2 =	slt.u32 s8, $0xFFFFF086  }
0x1c: {  	p1 =	slt.u32 s9, $0xF7A;
	s5 =	simm.s32 @!p2 $0x0  }
0x1d: {  	s5 =	simm.s32 @p1 $0x1;
	p0 =	seq.s32 s7, s2  }
0x1e: {  	s7 =	smul.u32 @!p0 $0xF7A, s2;
	p2 =	seq.s32 @!p0 s5, $0x0  }
0x1f: {  	s9 =	smul.u32 $0xF7A, s1;
	s8 =	simm.s32 @!p0 $0x1BF5;
	p2 =	por !p2, p0  }
0x20: {  	[sflag:s8] =	ssyncset.s32 @!p0 $0xFFFFF086;
	s6 =	sadd.s32 @!p0 s3, s7;
	s7 =	simm.s32 @!p0 $0x108  }
0x21: {  	s3 =	sadd.s32 s3, s9;
	s6 =	sadd.s32 @!p0 $0x88, s6;
	s7 =	simm.s32 @p2 $0x1082  }
0x22: {  	[simem:s7], [sflag:s8] =	dma.local @!p0 [hbm:s6], $0xF7A  }
0x23: {  	s9 =	sor.u32 $0xD0000000, s2;
	s6 =	simm.s32 $0x108;
	_ =	swait.ge @!p0 [sflag:s8], $0x0  }
0x24: {  	s3 =	sadd.s32 $0x88, s3;
	s6 =	simm.s32 @!p1 $0x1082;
	[sflag:s4] =	ssyncset.s32 $0xFFFFF086  }
0x25: {  	[simem:s6], [sflag:s4] =	dma.local [hbm:s3], $0xF7A  }
0x26: {  	[smem:$0x3F99] =	sst s1;
	(tag) =	ssettag s2;
	_ =	strace s9  }
0x27: {  	s1 =	sld [smem:$0x3FA9]  }
0x28: {  	s2 =	sld [smem:$0x3FAA]  }
0x29: {  	s4 =	sld [smem:$0x3FAC]  }
0x2a: {  	p0 =	seq.s32 s5, $0x0;
	s5 =	sld [smem:$0x3FAD]  }
0x2b: {  	s6 =	sld [smem:$0x3FAE]  }
0x2c: {  	s7 =	sld [smem:$0x3FAF]  }
0x2d: {  	s3 =	simm.s32 $0x108;
	s8 =	sld [smem:$0x3FB0]  }
0x2e: {  	s3 =	simm.s32 @!p0 $0x1082;
	s9 =	sld [smem:$0x3FB1]  }
0x2f: {  	lr =	sadd.s32 s0, s3;
	s0 =	sld [smem:$0x3FA8]  }
0x30: {  	s3 =	sld [smem:$0x3FAB]  }
0x31: {  	[smem:$0x3FB4] =	sst s10  }
0x32: {  	s10 =	sld [smem:$0x3FB2];
	_ =	sdelay $0x3  }
0x33: {  	p0 =	seq.s32 s10, $0x1;
	s10 =	sld [smem:$0x3FB4];
	_ =	sdelay $0x3  }
0x34: {  	[smem:$0x3FB4] =	sst s10  }
0x35: {  	s10 =	sld [smem:$0x3FB3];
	_ =	sdelay $0x3  }
0x36: {  	p1 =	seq.s32 s10, $0x1;
	s10 =	sld [smem:$0x3FB4];
	_ =	sdelay $0x3  }
0x37: {  	[smem:$0x3FB4] =	sst s10  }
0x38: {  	s10 =	sld [smem:$0x3FB5]  }
0x39: {  	_ = 	snop;
	(pc) =	sbr.ind lr, $3  }
0x3a: {  	_ = 	snop  }
0x3b: {  	_ = 	snop  }
0x3c: {  	p2 =	seq.s32 s10, $0x1;
	s10 =	sld [smem:$0x3FB4]  }
0x3d: {  	_ =	shalt  }
0x3e: {  	_ =	shalt  }
0x3f: {  	_ =	shalt  }
0x40: {  	_ =	shalt  }
0x41: {  	_ =	shalt  }
0x42: {  	_ =	shalt  }
0x43: {  	_ =	shalt  }
0x44: {  	_ =	shalt  }
0x45: {  	_ =	shalt  }
0x46: {  	_ =	shalt  }
0x47: {  	_ =	shalt  }
0x48: {  	_ =	shalt  }
0x49: {  	_ =	shalt  }
0x4a: {  	_ =	shalt  }
0x4b: {  	_ =	shalt  }
0x4c: {  	_ =	shalt  }
0x4d: {  	_ =	shalt  }
0x4e: {  	_ =	shalt  }
0x4f: {  	_ =	shalt  }
0x50: {  	_ =	shalt  }
0x51: {  	_ =	shalt  }
0x52: {  	_ =	shalt  }
0x53: {  	_ =	shalt  }
0x54: {  	_ =	shalt  }
0x55: {  	_ =	shalt  }
0x56: {  	_ =	shalt  }
0x57: {  	_ =	shalt  }
0x58: {  	_ =	shalt  }
0x59: {  	_ =	shalt  }
0x5a: {  	_ =	shalt  }
0x5b: {  	_ =	shalt  }
0x5c: {  	_ =	shalt  }
0x5d: {  	_ =	shalt  }
0x5e: {  	_ =	shalt  }
0x5f: {  	_ =	shalt  }
0x60: {  	_ =	shalt  }
0x61: {  	_ =	shalt  }
0x62: {  	_ =	shalt  }
0x63: {  	_ =	shalt  }
0x64: {  	_ =	shalt  }
0x65: {  	_ =	shalt  }
0x66: {  	_ =	shalt  }
0x67: {  	_ =	shalt  }
0x68: {  	_ =	shalt  }
0x69: {  	_ =	shalt  }
0x6a: {  	_ =	shalt  }
0x6b: {  	_ =	shalt  }
0x6c: {  	_ =	shalt  }
0x6d: {  	_ =	shalt  }
0x6e: {  	_ =	shalt  }
0x6f: {  	_ =	shalt  }
0x70: {  	_ =	shalt  }
0x71: {  	_ =	shalt  }
0x72: {  	_ =	shalt  }
0x73: {  	_ =	shalt  }
0x74: {  	_ =	shalt  }
0x75: {  	_ =	shalt  }
0x76: {  	_ =	shalt  }
0x77: {  	_ =	shalt  }
0x78: {  	_ =	shalt  }
0x79: {  	_ =	shalt  }
0x7a: {  	_ =	shalt  }
0x7b: {  	_ =	shalt  }
0x7c: {  	_ =	shalt  }
0x7d: {  	_ =	shalt  }
0x7e: {  	_ =	shalt  }
0x7f: {  	_ =	shalt  }
0x80: {  	_ =	shalt  }
0x81: {  	_ =	shalt  }
0x82: {  	_ =	shalt  }
0x83: {  	_ =	shalt  }
0x84: {  	_ =	shalt  }
0x85: {  	_ =	shalt  }
0x86: {  	_ =	shalt  }
0x87: {  	_ =	shalt  }
.Lfunc_end0:
.L_simem_size_0:
called_computation_lowered:
.L_overlay_start_0:
0x88: {  	s2 =	sld [smem:$0x3FD9]  }
0x89: {  	s3 =	sld [smem:$0x3FFE];
	_ =	sdelay $0x1  }
0x8a: {  	s1 =	srdreg.scid  }
0x8b: {  	s0 =	sand.u32 $0x1, s1  }
0x8c: {  	s17 =	sshll.u32 s0, $0xA;
	s2 =	sadd.s32 s3, s2  }
0x8d: {  	s2 =	sadd.s32 s2, s17  }
0x8e: {  	[smem:$0x3FC0] =	sst s2  }
0x8f: {  	_ = 	snop  }
0x90: {  	s2 =	sld [smem:$0x3FD0];
	(tm) =	ssettm $0x1  }
0x91: {  	s18 =	sld [smem:$0x3FFB];
	_ =	sdelay $0x3  }
0x92: {  	_ =	strace s18  }
0x93: {  	s3 =	sld [smem:$0x3FFC];
	_ =	sdelay $0x3  }
0x94: {  	_ =	strace s3  }
0x95: {  	s3 =	sld [smem:$0x3FFD];
	_ =	sdelay $0x3  }
0x96: {  	_ =	strace s3  }
0x97: {  	_ =	strace $0x8FFFFFFF  }
0x98: {  	s19 =	sld [smem:$0x3FDB];
	_ =	sdelay $0x1  }
0x99: {  	s4 =	simm.s32 $_scs_section_size  }
0x9a: {  	s5 =	simm.s32 $_size__tile_overlayer_lowered;
	s6 =	simm.s32 $_tile_overlayer_lowered  }
0x9b: {  	s22 =	simm.s32 $0x1BFF;
	s21 =	sshll.u32 s6, $0x1;
	s3 =	sadd.s32 s4, s19  }
0x9c: {  	s7 =	simm.s32 $0x0;
	s20 =	sshll.u32 s5, $0x1;
	s5 =	sadd.s32 s21, s3  }
0x9d: {  	[timem:s7], [sflag:s22] =	dma.local [hbm:s5], s20  }
0x9e: {  	_ =	swait.ge [sflag:s22], s20  }
0x9f: {  	s4 =	ssub.s32 $0x0, s20;
	[sflag:s22] =	ssyncset.done $0x0  }
0xa0: {  	[sflag:s22] =	ssyncadd.s32 s4;
	_ =	sdelay $0x1  }
0xa1: {  	s23 =	simm.s32 $0x1B8B  }
0xa2: {  	_ =	swait.ge [sflag:s23], $0x1  }
0xa3: {  	[sflag:s23] =	ssyncset.done $0x0  }
0xa4: {  	s25 =	simm.s32 $0x1B8E;
	s24 =	sld [smem:$0x3FFE];
	[sflag:s23] =	ssyncadd.s32 $0xFFFFFFFF  }
0xa5: {  	s26 =	simm.s32 $execute0_lowered;
	[smem:$0x3FD2] =	sst s25  }
0xa6: {  	s5 =	sshll.u32 s26, $0x1;
	_ =	strace $0x80000046;
	[dreg:$0x1] =	wrdreg $0xFFFFFFFF  }
0xa7: {  	s28 =	simm.s32 $_size_execute0_lowered;
	s3 =	sadd.s32 s3, s5;
	[dreg:$0x0] =	wrdreg $0x0  }
0xa8: {  	s5 =	sshll.u32 s28, $0x1;
	[dreg:$0x2] =	wrdreg s3  }
0xa9: {  	[dreg:$0x3] =	wrdreg s5  }
0xaa: {  	[dreg:$0x4] =	wrdreg $0xC0  }
0xab: {  	_ =	task [dreg:s7], $0x5FFFF  }
0xac: {  	[dreg:$0x1] =	wrdreg $0xFFFFFFFF  }
0xad: {  	[dreg:$0x0] =	wrdreg $0x60  }
0xae: {  	[dreg:$0x2] =	wrdreg s2  }
0xaf: {  	[dreg:$0x3] =	wrdreg s24  }
0xb0: {  	[dreg:$0x4] =	wrdreg $0x68000  }
0xb1: {  	[dreg:$0x5] =	wrdreg $0x9  }
0xb2: {  	_ =	task.clear_ibuf [dreg:s7], $0x6FFFF;
	_ =	strace $0x90000046  }
0xb3: {  	s29 =	simm.s32 $0x9;
	_ =	strace $0x80000048  }
0xb4: {  	_ =	swait.ge [sflag:s29], $0x1  }
0xb5: {  	[sflag:s29] =	ssyncadd.s32 $0xFFFFFFFF  }
0xb6: {  	_ =	strace $0x90000048  }
0xb7: {  	_ =	sfence  }
0xb8: {  	s30 =	sld [smem:$0x0];
	_ =	sdelay $0x2  }
0xb9: {  	s31 =	sshll.u32 s1, $0xD;
	s1 =	sshrl.u32 s1, $0x2  }
0xba: {  	s3 =	sand.u32 $0x4000, s31;
	s1 =	sadd.s32 s1, s30  }
0xbb: {  	s0 =	sor.u32 s3, s0;
	s1 =	sshll.u32 s1, $0x11  }
0xbc: {  	s0 =	sor.u32 s1, s0  }
0xbd: {  	s0 =	sadd.s32 $0x8F2B, s0  }
0xbe: {  	[sflag:s0] =	ssyncadd.remote.s32 $0x1  }
0xbf: {  	_ =	sfence.sel $0xFFFF  }
0xc0: {  	[dreg:$0x0] =	wrdreg $0xFFFFFFFF;
	(pc) =	sbr.abs _section_cstart, $3  }
0xc1: {  	[dreg:$0x1] =	wrdreg $0xFFFFFFFF  }
0xc2: {  	_ =	task.clear_ibuf [dreg:s7], $0x2FFFF;
	_ =	strace $0x9FFFFFFF  }
0xc3: {  	(tm) =	ssettm $0x7FFFFFFF  }
tec
execute0_lowered:
.L_overlay_start_1:
0x0: {  	(tag) =	ssettag $0x1  }
0x1: {  	s5 =	rddreg [dreg:$0x0]  }
0x2: {  	s6 =	rddreg [dreg:$0x1]  }
0x3: {  	s2 =	rddreg [dreg:$0x2]  }
0x4: {  	s0 =	rddreg [dreg:$0x3];
	s1 =	stileid.u32  }
0x5: {  	s4 =	srdreg.scid;
	s3 =	simm.s32 $0x0;
	s13 =	simm.s32 $0x80  }
0x6: {  	s14 =	simm.s32 $0x0;
	s7 =	smul.u32 $0x13C00, s1;
	s8 =	sand.u32 $0x1, s4  }
0x7: {  	[smem:$0x7FF] =	sst s3;
	s4 =	sadd.s32 $0x2AA00, s6;
	s11 =	smul.u32 $0x4F000, s1  }
0x8: {  	s31 =	sshll.u32 s1, $0x6;
	s9 =	smul.u32 $0x13C000, s8;
	_ =	strace $0x80000047  }
0x9: {  	s28 =	sshll.u32 s8, $0x4;
	s8 =	ssub.s32 $0x2, s8;
	s10 =	sshrl.u32 s7, $0x3  }
0xa: {  	s12 =	sshrl.u32 s8, $0x1;
	s29 =	sshrl.u32 s11, $0x2;
	s11 =	sor.u32 $0x1C01, s31  }
0xb: {  	s10 =	sadd.s32 s10, s6;
	s7 =	sadd.s32 s7, s9;
	s9 =	sor.u32 s1, s28  }
0xc: {  	s8 =	ssub.s32 s8, s12;
	s30 =	sadd.s32 s29, s2;
	s7 =	sshrl.u32 s7, $0x3  }
0xd: {  	s9 =	smul.u32 $0x500, s9;
	s8 =	smax.u32 s8, $0x1;
	s12 =	sshrl.u32 s30, $0x3  }
0xe: {  	s7 =	sadd.s32 s7, s6;
	s6 =	sadd.s32 $0x3200, s10;
	s10 =	simm.s32 $0x2800  }
0xf: {  	s5 =	sadd.s32 s5, s9;
	s7 =	sadd.s32 $0x2B200, s7;
	s9 =	simm.s32 $0x1  }
.LBB2_1:
0x10: {  	[tilespmem:s3], [sflag:$0x1] =	stream.linear.gather [hbm4b:s5+s3], $0x2780, $0x38;
	[tilespmem:$0x1A400] =	vst v63  }
0x11: {  	_ =	swait.ge [sflag:s9], $0x2780  }
0x12: {  	[sflag:s9] =	ssyncset.done $0x0  }
0x13: {  	[sflag:s9] =	ssyncadd.s32 $0xFFFFD880  }
0x14: {  	[tilespmem:s10], [sflag:$0x1] =	stream.linear.gather [hbm4b:s4+s3], $0x4000, $0x38;
	[tilespmem:$0x1A400] =	vst v63  }
0x15: {  	_ =	swait.ge [sflag:s9], $0x4000  }
0x16: {  	[sflag:s9] =	ssyncset.done $0x0  }
0x17: {  	[sflag:s9] =	ssyncadd.s32 $0xFFFFC000  }
0x18: {  	[spmem:s12], [sflag:s11] =	dma.local [hbm:s6], $0x2780  }
0x19: {  	_ =	swait.ge [sflag:s9], $0x2780  }
0x1a: {  	[sflag:s9] =	ssyncset.done $0x0  }
0x1b: {  	[sflag:s9] =	ssyncadd.s32 $0xFFFFD880  }
0x1c: {  	s15 =	simm.s32 $0x0;
	[bflag:$0x0] =	sbarrier.arrive $0xFFFF  }
0x1d: {  	[spmem:s2] =	stream.indirect.scatter.add.f32 [tilespmem:s10], [sflag:$0x1], $0x80, s15, s13, $0xb8;
	[tilespmem:$0x1A400] =	vst v63  }
0x1e: {  	_ =	swait.ge [sflag:s9], $0x4000  }
0x1f: {  	s15 =	simm.s32 $0x200;
	[sflag:s9] =	ssyncset.done $0x0  }
.LBB2_2:
0x20: {  	s16 =	sshra.s32 s15, $0x2;
	[sflag:s9] =	ssyncadd.s32 $0xFFFFC000;
	p0 =	sne.s32 s15, $0x9C00  }
0x21: {  	[spmem:s2] =	stream.indirect.scatter.add.f32 [tilespmem:s10], [sflag:$0x1], $0x80, s16, s13, $0xb8;
	[tilespmem:$0x1A400] =	vst v63  }
.Ltmp0:
0x22: {  	_ = 	snop;
	(pc) =	sbr.rel @p0 .LBB2_2-.Ltmp0, $4  }
0x23: {  	_ = 	snop  }
0x24: {  	s15 =	sadd.s32 $0x200, s15  }
0x25: {  	_ =	swait.ge [sflag:s9], $0x4000  }
0x26: {  	[sflag:s9] =	ssyncset.done $0x0  }
0x27: {  	s14 =	sadd.s32 $0x1, s14  }
0x28: {  	[sflag:s9] =	ssyncadd.s32 $0xFFFFC000;
	p0 =	sne.s32 s14, s8  }
.Ltmp1:
0x29: {  	[bflag:$0x0] =	sbarrier.arrive $0xFFFF;
	(pc) =	sbr.rel @p0 .LBB2_1-.Ltmp1, $4  }
0x2a: {  	[hbm:s7], [sflag:s11] =	dma.local [spmem:s12], $0x2780  }
0x2b: {  	_ =	swait.ge [sflag:s9], $0x2780  }
0x2c: {  	[sflag:s9] =	ssyncset.done $0x0  }
0x2d: {  	[sflag:s9] =	ssyncadd.s32 $0xFFFFD880  }
0x2e: {  	_ =	sfence.sel $0x180000  }
0x2f: {  	[bflag:$0x0] =	sbarrier.arrive $0xFFFF  }
0x30: {  	p0 =	sne.s32 s1, $0x0;
	_ =	strace $0x90000047  }
0x31: {  	s0 =	sadd.s32 @!p0 $0x100000, s0;
	[bflag:$0x2] =	sbarrier.arrive $0xFFFF  }
0x32: {  	[sflag:s0] =	ssyncadd.tile.s32 @!p0 $0x1;
	_ =	shalt  }
.Lfunc_end2:
_tile_overlayer_lowered:
.L_overlay_start_2:
0x33: {  	(tag) =	ssettag $0x2  }
0x34: {  	s0 =	rddreg [dreg:$0x0];
	s2 =	stileid.u32  }
0x35: {  	s1 =	rddreg [dreg:$0x1];
	p0 =	sne.s32 s2, $0x0  }
0x36: {  	s3 =	rddreg [dreg:$0x2];
	[bflag:$0x3] =	sbarrier.arrive $0xFFFF;
	s2 =	simm.s32 @!p0 $0x1C01  }
0x37: {  	[timem:s3], [sflag:s2] =	dma.local @!p0 [hbm:s0], s1  }
0x38: {  	s0 =	simm.s32 @!p0 $0x1  }
0x39: {  	_ =	swait.ge @!p0 [sflag:s0], s1  }
0x3a: {  	s1 =	ssub.s32 @!p0 $0x0, s1;
	[sflag:s0] =	ssyncset.done @!p0 $0x0  }
0x3b: {  	[sflag:s0] =	ssyncadd.s32 @!p0 s1  }
0x3c: {  	[bflag:$0x3] =	sbarrier.arrive $0xFFFF  }
0x3d: {  	_ =	shalt  }

</sc_bundles>
